<compile_context>
chip_gen: v7x
topology: tpu7x:2x2x1
jax: 0.10.2.dev20260603
libtpu: 0.0.44.dev20260713+nightly
codegen_flags: <defaults>
</compile_context>

<pallas_src>
import functools

import jax
import jax.numpy as jnp
from jax import lax
from jax.experimental import pallas as pl
from jax.experimental.pallas import tpu as pltpu
from jax.experimental.pallas import tpu_sc as plsc

_N = 10000
_E = 160000
_D = 128

_NC = 2
_NS = 16
_RP = 624
_RTAIL = _N - _RP * _NS
_CH = 128
_NCHUNK = _E // _CH
_QB = 2
_NQ = _NCHUNK // _QB
_DEGW = 16

_HALF = _N // _NC
_TRASH = _HALF
_ACCR = _HALF + 8
_RPH = 312
_RHTAIL = _HALF - _RPH * _NS

_sc_mesh = functools.partial(
    plsc.VectorSubcoreMesh, core_axis_name="c", subcore_axis_name="s")




def _deg_counts(dst2):

    @functools.partial(
        pl.kernel,
        mesh=_sc_mesh(),
        out_type=jax.ShapeDtypeStruct((_N, _DEGW), jnp.float32),
        scratch_types=[
            pltpu.VMEM((_QB, _CH), jnp.int32),
            pltpu.VMEM((_CH, _DEGW), jnp.float32),
            pltpu.VMEM((_RPH, _DEGW), jnp.float32),
            pltpu.VMEM_SHARED((_ACCR, _DEGW), jnp.float32),
            pltpu.SemaphoreType.DMA,
        ],
    )
    def k(dst_hbm, out_hbm, didx, ones_v, zbuf, acc, sem):
        c = lax.axis_index("c")
        s = lax.axis_index("s")

        def fill(i, carry):
            @pl.when(i < _CH)
            def _():
                ones_v[i] = jnp.ones((_DEGW,), jnp.float32)
            zbuf[i] = jnp.zeros((_DEGW,), jnp.float32)
            return carry

        lax.fori_loop(0, _RPH, fill, 0)
        pltpu.sync_copy(zbuf, acc.at[pl.ds(s * _RPH, _RPH)])

        @pl.when(s == 0)
        def _():
            pltpu.sync_copy(zbuf.at[pl.ds(0, _ACCR - _RPH * _NS)],
                            acc.at[pl.ds(_RPH * _NS, _ACCR - _RPH * _NS)])

        plsc.subcore_barrier()

        def body(j, carry):
            q = s + _NS * j

            @pl.when(q < _NQ)
            def _():
                pltpu.sync_copy(dst_hbm.at[q], didx)
                for r in range(_QB):
                    _localize(didx, c, r)
                    pltpu.sync_copy(ones_v, acc.at[didx.at[r]], add=True)

            return carry

        lax.fori_loop(0, (_NQ + _NS - 1) // _NS, body, 0)
        plsc.subcore_barrier()
        pltpu.sync_copy(acc.at[pl.ds(s * _RPH, _RPH)], zbuf)
        pltpu.sync_copy(zbuf, out_hbm.at[pl.ds(c * _HALF + s * _RPH, _RPH)])

        @pl.when(s == 0)
        def _():
            pltpu.sync_copy(acc.at[pl.ds(_RPH * _NS, _RHTAIL)],
                            zbuf.at[pl.ds(0, _RHTAIL)])
            pltpu.sync_copy(zbuf.at[pl.ds(0, _RHTAIL)],
                            out_hbm.at[pl.ds(c * _HALF + _RPH * _NS, _RHTAIL)])

    return k(dst2)


def _localize(didx, c, r=0):
    lo = c * _HALF
    for kk in range(_CH // 16):
        v = didx[r, pl.ds(kk * 16, 16)]
        vl = v - lo
        inb = jnp.logical_and(vl >= 0, vl < _HALF)
        didx[r, pl.ds(kk * 16, 16)] = jnp.where(inb, vl, _TRASH)


def _msg_sums(src2, dst2, g):

    @functools.partial(
        pl.kernel,
        mesh=_sc_mesh(),
        out_type=jax.ShapeDtypeStruct((_N, _D), jnp.float32),
        scratch_types=[
            pltpu.VMEM((_CH,), jnp.int32),
            pltpu.VMEM((1, _CH), jnp.int32),
            pltpu.VMEM((_CH, _D), jnp.float32),
            pltpu.VMEM((_RPH, _D), jnp.float32),
            pltpu.VMEM_SHARED((_ACCR, _D), jnp.float32),
            pltpu.SemaphoreType.DMA,
        ],
    )
    def k(src_hbm, dst_hbm, g_hbm, out_hbm, sidx, didx, rows, zbuf, acc, sem):
        c = lax.axis_index("c")
        s = lax.axis_index("s")

        def fill(i, carry):
            for jj in range(_D // 16):
                zbuf[i, pl.ds(jj * 16, 16)] = jnp.zeros((16,), jnp.float32)
            return carry

        lax.fori_loop(0, _RPH, fill, 0)
        pltpu.sync_copy(zbuf, acc.at[pl.ds(s * _RPH, _RPH)])

        @pl.when(s == 0)
        def _():
            pltpu.sync_copy(zbuf.at[pl.ds(0, _ACCR - _RPH * _NS)],
                            acc.at[pl.ds(_RPH * _NS, _ACCR - _RPH * _NS)])

        plsc.subcore_barrier()

        def body(j, carry):
            ch = s + _NS * j

            @pl.when(ch < _NCHUNK)
            def _():
                base = ch * _CH
                pltpu.sync_copy(src_hbm.at[pl.ds(base, _CH)], sidx)
                pltpu.sync_copy(dst_hbm.at[pl.ds(base, _CH)], didx.at[0])
                _localize(didx, c)
                pltpu.async_copy(g_hbm.at[sidx], rows, sem).wait()
                pltpu.sync_copy(rows, acc.at[didx.at[0]], add=True)

            return carry

        lax.fori_loop(0, (_NCHUNK + _NS - 1) // _NS, body, 0)
        plsc.subcore_barrier()
        pltpu.sync_copy(acc.at[pl.ds(s * _RPH, _RPH)], zbuf)
        pltpu.sync_copy(zbuf, out_hbm.at[pl.ds(c * _HALF + s * _RPH, _RPH)])

        @pl.when(s == 0)
        def _():
            pltpu.sync_copy(acc.at[pl.ds(_RPH * _NS, _RHTAIL)],
                            zbuf.at[pl.ds(0, _RHTAIL)])
            pltpu.sync_copy(zbuf.at[pl.ds(0, _RHTAIL)],
                            out_hbm.at[pl.ds(c * _HALF + _RPH * _NS, _RHTAIL)])

    return k(src2, dst2, g)



_BM = 2000
_BMM = 400


def _prep_kernel(x_ref, wc_ref, wh_ref, degc_ref, g_ref, h_ref):
    deg = degc_ref[:, 0] + 1.0
    dis = lax.rsqrt(deg)
    xb = x_ref[...]
    hc = lax.dot_general(xb, wc_ref[...], (((1,), (1,)), ((), ())),
                         preferred_element_type=jnp.float32)
    g_ref[...] = hc * dis[:, None]
    hh = lax.dot_general(xb, wh_ref[...], (((1,), (1,)), ((), ())),
                         preferred_element_type=jnp.float32)
    h_ref[...] = jnp.maximum(hh, 0.0)


def _prep(x, W_conv, W_high, degp):
    grid = (_N // _BM,)
    return pl.pallas_call(
        _prep_kernel,
        grid=grid,
        in_specs=[
            pl.BlockSpec((_BM, _D), lambda i: (i, 0)),
            pl.BlockSpec((_D, _D), lambda i: (0, 0)),
            pl.BlockSpec((_D, _D), lambda i: (0, 0)),
            pl.BlockSpec((_BM, _DEGW), lambda i: (i, 0)),
        ],
        out_specs=[
            pl.BlockSpec((_BM, _D), lambda i: (i, 0)),
            pl.BlockSpec((_BM, _D), lambda i: (i, 0)),
        ],
        out_shape=[
            jax.ShapeDtypeStruct((_N, _D), jnp.float32),
            jax.ShapeDtypeStruct((_N, _D), jnp.float32),
        ],
    )(x, W_conv, W_high, degp)


def _mm_kernel(a_ref, b_ref, o_ref):
    o_ref[...] = jnp.dot(a_ref[...], b_ref[...],
                         preferred_element_type=jnp.float32)


def _mm(a, b):
    grid = (_N // _BMM,)
    return pl.pallas_call(
        _mm_kernel,
        grid=grid,
        in_specs=[
            pl.BlockSpec((_BMM, _N), lambda i: (i, 0)),
            pl.BlockSpec((_N, _D), lambda i: (0, 0)),
        ],
        out_specs=pl.BlockSpec((_BMM, _D), lambda i: (i, 0)),
        out_shape=jax.ShapeDtypeStruct((_N, _D), jnp.float32),
        compiler_params=pltpu.CompilerParams(
            dimension_semantics=("arbitrary",)),
    )(a, b)


def _combine_kernel(t3_ref, sp_ref, g_ref, degc_ref, b_ref, sc_ref, o_ref):
    deg = degc_ref[:, 0] + 1.0
    dis = lax.rsqrt(deg)
    S = sp_ref[...] + g_ref[...]
    gcn = S * dis[:, None] + b_ref[...]
    hl = jnp.maximum(gcn, 0.0)
    o_ref[...] = sc_ref[0, 0] * hl + sc_ref[0, 1] * t3_ref[...]


def _combine(t3, Sp, g, degc, b, scal):
    grid = (_N // _BM,)
    return pl.pallas_call(
        _combine_kernel,
        grid=grid,
        in_specs=[
            pl.BlockSpec((_BM, _D), lambda i: (i, 0)),
            pl.BlockSpec((_BM, _D), lambda i: (i, 0)),
            pl.BlockSpec((_BM, _D), lambda i: (i, 0)),
            pl.BlockSpec((_BM, _DEGW), lambda i: (i, 0)),
            pl.BlockSpec((1, _D), lambda i: (0, 0)),
            pl.BlockSpec((1, 2), lambda i: (0, 0)),
        ],
        out_specs=pl.BlockSpec((_BM, _D), lambda i: (i, 0)),
        out_shape=jax.ShapeDtypeStruct((_N, _D), jnp.float32),
    )(t3, Sp, g, degc, b, scal)




def kernel(x, edge_index, lap, d_inv, W_high, W_conv, b_conv, aL, aH):
    src2 = edge_index[0]
    dst2 = edge_index[1]
    dst3 = dst2.reshape(_NQ, _QB, _CH)
    degp = _deg_counts(dst3)
    g, H = _prep(x, W_conv, W_high, degp)
    Sp = _msg_sums(src2, dst2, g)
    t1 = _mm(d_inv, H)
    t2 = _mm(lap, t1)
    t3 = _mm(d_inv, t2)
    scal = jnp.concatenate([aL, aH]).reshape(1, 2)
    return _combine(t3, Sp, g, degp, b_conv.reshape(1, _D), scal)

# --- scband reference (transcript-rebuilt; emitter-appended) ---
"""Pipeline reference for scband-fbgcn-layer-83554293777022 (READ-ONLY COPY).

The authoritative reference and input builder live on the scoring server;
editing this copy changes nothing except your own understanding.
"""

import jax, jax.numpy as jnp
import numpy as np

N = 10000
E = 160000
D_IN = 128
D_OUT = 128


def setup_inputs(seed: int = 0) -> dict:
    key = jax.random.key(seed)
    ks = jax.random.split(key, 10)
    x = jax.random.normal(ks[0], (N, D_IN), dtype=jnp.float32)
    edge_index = jax.random.randint(ks[1], (2, E), 0, N, dtype=jnp.int32)
    lap = jax.random.normal(ks[2], (N, N), dtype=jnp.float32) * 0.01
    d_inv = jax.random.normal(ks[3], (N, N), dtype=jnp.float32) * 0.01
    W_high = jax.random.normal(ks[4], (D_OUT, D_IN), dtype=jnp.float32) * (1.0 / np.sqrt(D_IN))
    W_conv = jax.random.normal(ks[5], (D_OUT, D_IN), dtype=jnp.float32) * (1.0 / np.sqrt(D_IN))
    b_conv = jnp.zeros((D_OUT,), dtype=jnp.float32)
    aL = jax.random.uniform(ks[6], (1,), dtype=jnp.float32)
    aH = jax.random.uniform(ks[7], (1,), dtype=jnp.float32)
    return {"x": x, "edge_index": edge_index, "lap": lap, "d_inv": d_inv,
            "W_high": W_high, "W_conv": W_conv, "b_conv": b_conv, "aL": aL, "aH": aH}


def gcn_conv(x, edge_index, W, b):
    # torch_geometric GCNConv: add self-loops, symmetric normalization, linear, scatter-add
    n = x.shape[0]
    loop = jnp.arange(n, dtype=edge_index.dtype)
    src = jnp.concatenate([edge_index[0], loop])
    dst = jnp.concatenate([edge_index[1], loop])
    deg = jnp.zeros((n,), dtype=x.dtype).at[dst].add(1.0)
    deg_inv_sqrt = jnp.where(deg > 0, 1.0 / jnp.sqrt(deg), 0.0)
    norm = deg_inv_sqrt[src] * deg_inv_sqrt[dst]
    h = x @ W.T
    msg = h[src] * norm[:, None]
    out = jnp.zeros((n, h.shape[1]), dtype=x.dtype).at[dst].add(msg)
    return out + b


def reference(x, edge_index, lap, d_inv, W_high, W_conv, b_conv, aL, aH):
    # High-pass branch: Lhp = D^-1 L D^-1 applied to relu(Linear(x))
    Lhp = (d_inv @ lap) @ d_inv
    Hh = Lhp @ jax.nn.relu(x @ W_high.T)
    # Low-pass branch: GCN conv + relu (+ dropout: identity in eval mode)
    Hl = jax.nn.relu(gcn_conv(x, edge_index, W_conv, b_conv))
    return aL * Hl + aH * Hh

if __name__ == "__main__":
    import jax
    _d = setup_inputs()
    print(jax.jit(kernel)(*tuple(_d.values())))

</pallas_src>

<mosaic_0001>
#map = affine_map<(d0, d1) -> (0, 0, 0)>
#map1 = affine_map<(d0, d1) -> (0, 0)>
module attributes {stable_mosaic.version = 14 : i64} {
  func.func @k(%arg0: i32, %arg1: i32, %arg2: memref<625x2x128xi32, #tpu.memory_space<hbm>>, %arg3: memref<10000x16xf32, #tpu.memory_space<hbm>>, %arg4: memref<2x128xi32, #tpu.memory_space<vmem>>, %arg5: memref<128x16xf32, #tpu.memory_space<vmem>>, %arg6: memref<312x16xf32, #tpu.memory_space<vmem>>, %arg7: memref<5008x16xf32, #tpu.memory_space<vmem_shared>>, %arg8: memref<!tpu.dma_semaphore, #tpu.memory_space<semaphore_mem>>) attributes {dimension_semantics = [#tpu.dimension_semantics<core_parallel>, #tpu.dimension_semantics<subcore_parallel>], iteration_bounds = array<i64: 2, 16>, scalar_prefetch = 0 : i64, scratch_operands = 5 : i64, tpu.core_type = #tpu.core_type<sc_vector_subcore>, window_params = [{transform_indices = #map}, {transform_indices = #map1}]} {
    %scan3A = arith.constant 0 : i32
    %scan3A_0 = arith.constant 0 : i32
    %scan3A_1 = arith.constant 312 : i32
    %scan3A_2 = arith.addi %scan3A_0, %scan3A_1 : i32
    %scan3A_3 = arith.constant 1 : i32
    scf.for %scan3A_26 = %scan3A_0 to %scan3A_2 step %scan3A_3  : i32 {
      %lt3A = arith.constant 128 : i32
      %lt3A_27 = arith.cmpi slt, %scan3A_26, %lt3A : i32
      %convert_element_type3A_28 = arith.extui %lt3A_27 : i1 to i32
      %cond3A_29 = arith.constant 0 : i32
      %cond3A_30 = arith.cmpi ne, %convert_element_type3A_28, %cond3A_29 : i32
      scf.if %cond3A_30 {
        %broadcast_in_dim3A_36 = arith.constant 1.000000e+00 : f32
        %broadcast_in_dim3A_37 = vector.broadcast %broadcast_in_dim3A_36 : f32 to vector<16xf32>
        %swap3A_38 = arith.index_cast %scan3A_26 : i32 to index
        %swap3A_39 = arith.constant 0 : index
        %swap3A_40 = tpu.vector_load %arg5[%swap3A_38, %swap3A_39] {strides = array<i32>} : memref<128x16xf32, #tpu.memory_space<vmem>>, vector<1x16xf32>,
        %swap3A_41 = vector.shape_cast %swap3A_40 : vector<1x16xf32> to vector<16xf32>
        %swap3A_42 = vector.shape_cast %broadcast_in_dim3A_37 : vector<16xf32> to vector<1x16xf32>
        tpu.vector_store %arg5[%swap3A_38, %swap3A_39], %swap3A_42 {strides = array<i32>} : memref<128x16xf32, #tpu.memory_space<vmem>>, vector<1x16xf32>,
      } else {
      }
      %broadcast_in_dim3A = arith.constant 0.000000e+00 : f32
      %broadcast_in_dim3A_31 = vector.broadcast %broadcast_in_dim3A : f32 to vector<16xf32>
      %swap3A = arith.index_cast %scan3A_26 : i32 to index
      %swap3A_32 = arith.constant 0 : index
      %swap3A_33 = tpu.vector_load %arg6[%swap3A, %swap3A_32] {strides = array<i32>} : memref<312x16xf32, #tpu.memory_space<vmem>>, vector<1x16xf32>,
      %swap3A_34 = vector.shape_cast %swap3A_33 : vector<1x16xf32> to vector<16xf32>
      %swap3A_35 = vector.shape_cast %broadcast_in_dim3A_31 : vector<16xf32> to vector<1x16xf32>
      tpu.vector_store %arg6[%swap3A, %swap3A_32], %swap3A_35 {strides = array<i32>} : memref<312x16xf32, #tpu.memory_space<vmem>>, vector<1x16xf32>,
    }
    %scan3A_4 = arith.constant 312 : i32
    %mul3A = arith.constant 312 : i32
    %mul3A_5 = arith.muli %arg1, %mul3A : i32
    "tpu.region"() ({
      %run_scoped3A = tpu.sem_alloc : memref<!tpu.dma_semaphore, #tpu.memory_space<semaphore_mem>>
      %dma_start3A = arith.constant 0 : i32
      %dma_start3A_26 = tpu.memref_slice %arg7[%mul3A_5, %dma_start3A] : memref<5008x16xf32, #tpu.memory_space<vmem_shared>> -> memref<312x16xf32, #tpu.memory_space<vmem_shared>>
      %dma_start3A_27 = arith.constant 0 : i32
      %dma_start3A_28 = tpu.memref_slice %arg7[%mul3A_5, %dma_start3A_27] : memref<5008x16xf32, #tpu.memory_space<vmem_shared>> -> memref<312x16xf32, #tpu.memory_space<vmem_shared>>
      tpu.enqueue_dma source(%arg6 : memref<312x16xf32, #tpu.memory_space<vmem>>) target(%dma_start3A_28 : memref<312x16xf32, #tpu.memory_space<vmem_shared>>) target_semaphore(%run_scoped3A : memref<!tpu.dma_semaphore, #tpu.memory_space<semaphore_mem>>)
      %dma_wait3A = arith.constant 0 : i32
      %dma_wait3A_29 = tpu.memref_slice %arg7[%mul3A_5, %dma_wait3A] : memref<5008x16xf32, #tpu.memory_space<vmem_shared>> -> memref<312x16xf32, #tpu.memory_space<vmem_shared>>
      %dma_wait3A_30 = arith.constant 0 : i32
      %dma_wait3A_31 = tpu.memref_slice %arg7[%mul3A_5, %dma_wait3A_30] : memref<5008x16xf32, #tpu.memory_space<vmem_shared>> -> memref<312x16xf32, #tpu.memory_space<vmem_shared>>
      tpu.wait_dma2 semaphore(%run_scoped3A : memref<!tpu.dma_semaphore, #tpu.memory_space<semaphore_mem>>) src(%arg6 : memref<312x16xf32, #tpu.memory_space<vmem>>) dst(%dma_wait3A_31 : memref<312x16xf32, #tpu.memory_space<vmem_shared>>)
      tpu.yield
    }) : () -> ()
    %eq3A = arith.constant 0 : i32
    %eq3A_6 = arith.cmpi eq, %arg1, %eq3A : i32
    %convert_element_type3A = arith.extui %eq3A_6 : i1 to i32
    %cond3A = arith.constant 0 : i32
    %cond3A_7 = arith.cmpi ne, %convert_element_type3A, %cond3A : i32
    scf.if %cond3A_7 {
      "tpu.region"() ({
        %run_scoped3A = tpu.sem_alloc : memref<!tpu.dma_semaphore, #tpu.memory_space<semaphore_mem>>
        %dma_start3A = arith.constant 0 : i32
        %dma_start3A_26 = arith.constant 0 : i32
        %dma_start3A_27 = tpu.memref_slice %arg6[%dma_start3A, %dma_start3A_26] : memref<312x16xf32, #tpu.memory_space<vmem>> -> memref<16x16xf32, #tpu.memory_space<vmem>>
        %dma_start3A_28 = arith.constant 4992 : i32
        %dma_start3A_29 = arith.constant 0 : i32
        %dma_start3A_30 = tpu.memref_slice %arg7[%dma_start3A_28, %dma_start3A_29] : memref<5008x16xf32, #tpu.memory_space<vmem_shared>> -> memref<16x16xf32, #tpu.memory_space<vmem_shared>>
        %dma_start3A_31 = arith.constant 4992 : i32
        %dma_start3A_32 = arith.constant 0 : i32
        %dma_start3A_33 = tpu.memref_slice %arg7[%dma_start3A_31, %dma_start3A_32] : memref<5008x16xf32, #tpu.memory_space<vmem_shared>> -> memref<16x16xf32, #tpu.memory_space<vmem_shared>>
        %dma_start3A_34 = arith.constant 0 : i32
        %dma_start3A_35 = arith.constant 0 : i32
        %dma_start3A_36 = tpu.memref_slice %arg6[%dma_start3A_34, %dma_start3A_35] : memref<312x16xf32, #tpu.memory_space<vmem>> -> memref<16x16xf32, #tpu.memory_space<vmem>>
        tpu.enqueue_dma source(%dma_start3A_36 : memref<16x16xf32, #tpu.memory_space<vmem>>) target(%dma_start3A_33 : memref<16x16xf32, #tpu.memory_space<vmem_shared>>) target_semaphore(%run_scoped3A : memref<!tpu.dma_semaphore, #tpu.memory_space<semaphore_mem>>)
        %dma_wait3A = arith.constant 0 : i32
        %dma_wait3A_37 = arith.constant 0 : i32
        %dma_wait3A_38 = tpu.memref_slice %arg6[%dma_wait3A, %dma_wait3A_37] : memref<312x16xf32, #tpu.memory_space<vmem>> -> memref<16x16xf32, #tpu.memory_space<vmem>>
        %dma_wait3A_39 = arith.constant 4992 : i32
        %dma_wait3A_40 = arith.constant 0 : i32
        %dma_wait3A_41 = tpu.memref_slice %arg7[%dma_wait3A_39, %dma_wait3A_40] : memref<5008x16xf32, #tpu.memory_space<vmem_shared>> -> memref<16x16xf32, #tpu.memory_space<vmem_shared>>
        %dma_wait3A_42 = arith.constant 4992 : i32
        %dma_wait3A_43 = arith.constant 0 : i32
        %dma_wait3A_44 = tpu.memref_slice %arg7[%dma_wait3A_42, %dma_wait3A_43] : memref<5008x16xf32, #tpu.memory_space<vmem_shared>> -> memref<16x16xf32, #tpu.memory_space<vmem_shared>>
        %dma_wait3A_45 = arith.constant 0 : i32
        %dma_wait3A_46 = arith.constant 0 : i32
        %dma_wait3A_47 = tpu.memref_slice %arg6[%dma_wait3A_45, %dma_wait3A_46] : memref<312x16xf32, #tpu.memory_space<vmem>> -> memref<16x16xf32, #tpu.memory_space<vmem>>
        tpu.wait_dma2 semaphore(%run_scoped3A : memref<!tpu.dma_semaphore, #tpu.memory_space<semaphore_mem>>) src(%dma_wait3A_47 : memref<16x16xf32, #tpu.memory_space<vmem>>) dst(%dma_wait3A_44 : memref<16x16xf32, #tpu.memory_space<vmem_shared>>)
        tpu.yield
      }) : () -> ()
    } else {
    }
    %barrier3A = arith.constant 0 : index
    tpu.barrier barrier_id(%barrier3A)
    %scan3A_8 = arith.constant 0 : i32
    %scan3A_9 = arith.constant 0 : i32
    %scan3A_10 = arith.constant 40 : i32
    %scan3A_11 = arith.addi %scan3A_9, %scan3A_10 : i32
    %scan3A_12 = arith.constant 1 : i32
    scf.for %scan3A_26 = %scan3A_9 to %scan3A_11 step %scan3A_12  : i32 {
      %mul3A_27 = arith.constant 16 : i32
      %mul3A_28 = arith.muli %mul3A_27, %scan3A_26 : i32
      %add3A_29 = arith.addi %arg1, %mul3A_28 : i32
      %lt3A = arith.constant 625 : i32
      %lt3A_30 = arith.cmpi slt, %add3A_29, %lt3A : i32
      %convert_element_type3A_31 = arith.extui %lt3A_30 : i1 to i32
      %cond3A_32 = arith.constant 0 : i32
      %cond3A_33 = arith.cmpi ne, %convert_element_type3A_31, %cond3A_32 : i32
      scf.if %cond3A_33 {
        "tpu.region"() ({
          %run_scoped3A_399 = tpu.sem_alloc : memref<!tpu.dma_semaphore, #tpu.memory_space<semaphore_mem>>
          %dma_start3A = arith.constant 0 : i32
          %dma_start3A_400 = arith.constant 0 : i32
          %dma_start3A_401 = tpu.memref_slice %arg2[%add3A_29, %dma_start3A, %dma_start3A_400] : memref<625x2x128xi32, #tpu.memory_space<hbm>> -> memref<1x2x128xi32, #tpu.memory_space<hbm>>
          %dma_start3A_402 = tpu.memref_squeeze %dma_start3A_401 : memref<1x2x128xi32, #tpu.memory_space<hbm>> -> memref<2x128xi32, #tpu.memory_space<hbm>>
          %dma_start3A_403 = arith.constant 0 : i32
          %dma_start3A_404 = arith.constant 0 : i32
          %dma_start3A_405 = tpu.memref_slice %arg2[%add3A_29, %dma_start3A_403, %dma_start3A_404] : memref<625x2x128xi32, #tpu.memory_space<hbm>> -> memref<1x2x128xi32, #tpu.memory_space<hbm>>
          %dma_start3A_406 = tpu.memref_squeeze %dma_start3A_405 : memref<1x2x128xi32, #tpu.memory_space<hbm>> -> memref<2x128xi32, #tpu.memory_space<hbm>>
          tpu.enqueue_dma source(%dma_start3A_406 : memref<2x128xi32, #tpu.memory_space<hbm>>) target(%arg4 : memref<2x128xi32, #tpu.memory_space<vmem>>) target_semaphore(%run_scoped3A_399 : memref<!tpu.dma_semaphore, #tpu.memory_space<semaphore_mem>>)
          %dma_wait3A = arith.constant 0 : i32
          %dma_wait3A_407 = arith.constant 0 : i32
          %dma_wait3A_408 = tpu.memref_slice %arg2[%add3A_29, %dma_wait3A, %dma_wait3A_407] : memref<625x2x128xi32, #tpu.memory_space<hbm>> -> memref<1x2x128xi32, #tpu.memory_space<hbm>>
          %dma_wait3A_409 = tpu.memref_squeeze %dma_wait3A_408 : memref<1x2x128xi32, #tpu.memory_space<hbm>> -> memref<2x128xi32, #tpu.memory_space<hbm>>
          %dma_wait3A_410 = arith.constant 0 : i32
          %dma_wait3A_411 = arith.constant 0 : i32
          %dma_wait3A_412 = tpu.memref_slice %arg2[%add3A_29, %dma_wait3A_410, %dma_wait3A_411] : memref<625x2x128xi32, #tpu.memory_space<hbm>> -> memref<1x2x128xi32, #tpu.memory_space<hbm>>
          %dma_wait3A_413 = tpu.memref_squeeze %dma_wait3A_412 : memref<1x2x128xi32, #tpu.memory_space<hbm>> -> memref<2x128xi32, #tpu.memory_space<hbm>>
          tpu.wait_dma2 semaphore(%run_scoped3A_399 : memref<!tpu.dma_semaphore, #tpu.memory_space<semaphore_mem>>) src(%dma_wait3A_413 : memref<2x128xi32, #tpu.memory_space<hbm>>) dst(%arg4 : memref<2x128xi32, #tpu.memory_space<vmem>>)
          tpu.yield
        }) : () -> ()
        %mul3A_34 = arith.constant 5000 : i32
        %mul3A_35 = arith.muli %arg0, %mul3A_34 : i32
        %get3A = arith.constant 0 : i32
        %get3A_36 = arith.index_cast %get3A : i32 to index
        %get3A_37 = arith.constant 0 : index
        %get3A_38 = tpu.vector_load %arg4[%get3A_36, %get3A_37] {strides = array<i32>} : memref<2x128xi32, #tpu.memory_space<vmem>>, vector<1x16xi32>,
        %get3A_39 = vector.shape_cast %get3A_38 : vector<1x16xi32> to vector<16xi32>
        %sub3A = vector.broadcast %mul3A_35 : i32 to vector<16xi32>
        %sub3A_40 = arith.subi %get3A_39, %sub3A : vector<16xi32>
        %ge3A = arith.constant 0 : i32
        %ge3A_41 = vector.broadcast %ge3A : i32 to vector<16xi32>
        %ge3A_42 = arith.cmpi sge, %sub3A_40, %ge3A_41 : vector<16xi32>
        %lt3A_43 = arith.constant 5000 : i32
        %lt3A_44 = vector.broadcast %lt3A_43 : i32 to vector<16xi32>
        %lt3A_45 = arith.cmpi slt, %sub3A_40, %lt3A_44 : vector<16xi32>
        %and3A = arith.andi %ge3A_42, %lt3A_45 : vector<16xi1>
        %jit3A = arith.constant 5000 : i32
        %broadcast_in_dim3A = vector.broadcast %jit3A : i32 to vector<16xi32>
        %select_n3A = arith.select %and3A, %sub3A_40, %broadcast_in_dim3A : vector<16xi1>, vector<16xi32>
        %swap3A = arith.constant 0 : i32
        %swap3A_46 = arith.index_cast %swap3A : i32 to index
        %swap3A_47 = arith.constant 0 : index
        %swap3A_48 = tpu.vector_load %arg4[%swap3A_46, %swap3A_47] {strides = array<i32>} : memref<2x128xi32, #tpu.memory_space<vmem>>, vector<1x16xi32>,
        %swap3A_49 = vector.shape_cast %swap3A_48 : vector<1x16xi32> to vector<16xi32>
        %swap3A_50 = vector.shape_cast %select_n3A : vector<16xi32> to vector<1x16xi32>
        tpu.vector_store %arg4[%swap3A_46, %swap3A_47], %swap3A_50 {strides = array<i32>} : memref<2x128xi32, #tpu.memory_space<vmem>>, vector<1x16xi32>,
        %get3A_51 = arith.constant 0 : i32
        %get3A_52 = arith.index_cast %get3A_51 : i32 to index
        %get3A_53 = arith.constant 16 : index
        %get3A_54 = tpu.vector_load %arg4[%get3A_52, %get3A_53] {strides = array<i32>} : memref<2x128xi32, #tpu.memory_space<vmem>>, vector<1x16xi32>,
        %get3A_55 = vector.shape_cast %get3A_54 : vector<1x16xi32> to vector<16xi32>
        %sub3A_56 = vector.broadcast %mul3A_35 : i32 to vector<16xi32>
        %sub3A_57 = arith.subi %get3A_55, %sub3A_56 : vector<16xi32>
        %ge3A_58 = arith.constant 0 : i32
        %ge3A_59 = vector.broadcast %ge3A_58 : i32 to vector<16xi32>
        %ge3A_60 = arith.cmpi sge, %sub3A_57, %ge3A_59 : vector<16xi32>
        %lt3A_61 = arith.constant 5000 : i32
        %lt3A_62 = vector.broadcast %lt3A_61 : i32 to vector<16xi32>
        %lt3A_63 = arith.cmpi slt, %sub3A_57, %lt3A_62 : vector<16xi32>
        %and3A_64 = arith.andi %ge3A_60, %lt3A_63 : vector<16xi1>
        %jit3A_65 = arith.constant 5000 : i32
        %broadcast_in_dim3A_66 = vector.broadcast %jit3A_65 : i32 to vector<16xi32>
        %select_n3A_67 = arith.select %and3A_64, %sub3A_57, %broadcast_in_dim3A_66 : vector<16xi1>, vector<16xi32>
        %swap3A_68 = arith.constant 0 : i32
        %swap3A_69 = arith.index_cast %swap3A_68 : i32 to index
        %swap3A_70 = arith.constant 16 : index
        %swap3A_71 = tpu.vector_load %arg4[%swap3A_69, %swap3A_70] {strides = array<i32>} : memref<2x128xi32, #tpu.memory_space<vmem>>, vector<1x16xi32>,
        %swap3A_72 = vector.shape_cast %swap3A_71 : vector<1x16xi32> to vector<16xi32>
        %swap3A_73 = vector.shape_cast %select_n3A_67 : vector<16xi32> to vector<1x16xi32>
        tpu.vector_store %arg4[%swap3A_69, %swap3A_70], %swap3A_73 {strides = array<i32>} : memref<2x128xi32, #tpu.memory_space<vmem>>, vector<1x16xi32>,
        %get3A_74 = arith.constant 0 : i32
        %get3A_75 = arith.index_cast %get3A_74 : i32 to index
        %get3A_76 = arith.constant 32 : index
        %get3A_77 = tpu.vector_load %arg4[%get3A_75, %get3A_76] {strides = array<i32>} : memref<2x128xi32, #tpu.memory_space<vmem>>, vector<1x16xi32>,
        %get3A_78 = vector.shape_cast %get3A_77 : vector<1x16xi32> to vector<16xi32>
        %sub3A_79 = vector.broadcast %mul3A_35 : i32 to vector<16xi32>
        %sub3A_80 = arith.subi %get3A_78, %sub3A_79 : vector<16xi32>
        %ge3A_81 = arith.constant 0 : i32
        %ge3A_82 = vector.broadcast %ge3A_81 : i32 to vector<16xi32>
        %ge3A_83 = arith.cmpi sge, %sub3A_80, %ge3A_82 : vector<16xi32>
        %lt3A_84 = arith.constant 5000 : i32
        %lt3A_85 = vector.broadcast %lt3A_84 : i32 to vector<16xi32>
        %lt3A_86 = arith.cmpi slt, %sub3A_80, %lt3A_85 : vector<16xi32>
        %and3A_87 = arith.andi %ge3A_83, %lt3A_86 : vector<16xi1>
        %jit3A_88 = arith.constant 5000 : i32
        %broadcast_in_dim3A_89 = vector.broadcast %jit3A_88 : i32 to vector<16xi32>
        %select_n3A_90 = arith.select %and3A_87, %sub3A_80, %broadcast_in_dim3A_89 : vector<16xi1>, vector<16xi32>
        %swap3A_91 = arith.constant 0 : i32
        %swap3A_92 = arith.index_cast %swap3A_91 : i32 to index
        %swap3A_93 = arith.constant 32 : index
        %swap3A_94 = tpu.vector_load %arg4[%swap3A_92, %swap3A_93] {strides = array<i32>} : memref<2x128xi32, #tpu.memory_space<vmem>>, vector<1x16xi32>,
        %swap3A_95 = vector.shape_cast %swap3A_94 : vector<1x16xi32> to vector<16xi32>
        %swap3A_96 = vector.shape_cast %select_n3A_90 : vector<16xi32> to vector<1x16xi32>
        tpu.vector_store %arg4[%swap3A_92, %swap3A_93], %swap3A_96 {strides = array<i32>} : memref<2x128xi32, #tpu.memory_space<vmem>>, vector<1x16xi32>,
        %get3A_97 = arith.constant 0 : i32
        %get3A_98 = arith.index_cast %get3A_97 : i32 to index
        %get3A_99 = arith.constant 48 : index
        %get3A_100 = tpu.vector_load %arg4[%get3A_98, %get3A_99] {strides = array<i32>} : memref<2x128xi32, #tpu.memory_space<vmem>>, vector<1x16xi32>,
        %get3A_101 = vector.shape_cast %get3A_100 : vector<1x16xi32> to vector<16xi32>
        %sub3A_102 = vector.broadcast %mul3A_35 : i32 to vector<16xi32>
        %sub3A_103 = arith.subi %get3A_101, %sub3A_102 : vector<16xi32>
        %ge3A_104 = arith.constant 0 : i32
        %ge3A_105 = vector.broadcast %ge3A_104 : i32 to vector<16xi32>
        %ge3A_106 = arith.cmpi sge, %sub3A_103, %ge3A_105 : vector<16xi32>
        %lt3A_107 = arith.constant 5000 : i32
        %lt3A_108 = vector.broadcast %lt3A_107 : i32 to vector<16xi32>
        %lt3A_109 = arith.cmpi slt, %sub3A_103, %lt3A_108 : vector<16xi32>
        %and3A_110 = arith.andi %ge3A_106, %lt3A_109 : vector<16xi1>
        %jit3A_111 = arith.constant 5000 : i32
        %broadcast_in_dim3A_112 = vector.broadcast %jit3A_111 : i32 to vector<16xi32>
        %select_n3A_113 = arith.select %and3A_110, %sub3A_103, %broadcast_in_dim3A_112 : vector<16xi1>, vector<16xi32>
        %swap3A_114 = arith.constant 0 : i32
        %swap3A_115 = arith.index_cast %swap3A_114 : i32 to index
        %swap3A_116 = arith.constant 48 : index
        %swap3A_117 = tpu.vector_load %arg4[%swap3A_115, %swap3A_116] {strides = array<i32>} : memref<2x128xi32, #tpu.memory_space<vmem>>, vector<1x16xi32>,
        %swap3A_118 = vector.shape_cast %swap3A_117 : vector<1x16xi32> to vector<16xi32>
        %swap3A_119 = vector.shape_cast %select_n3A_113 : vector<16xi32> to vector<1x16xi32>
        tpu.vector_store %arg4[%swap3A_115, %swap3A_116], %swap3A_119 {strides = array<i32>} : memref<2x128xi32, #tpu.memory_space<vmem>>, vector<1x16xi32>,
        %get3A_120 = arith.constant 0 : i32
        %get3A_121 = arith.index_cast %get3A_120 : i32 to index
        %get3A_122 = arith.constant 64 : index
        %get3A_123 = tpu.vector_load %arg4[%get3A_121, %get3A_122] {strides = array<i32>} : memref<2x128xi32, #tpu.memory_space<vmem>>, vector<1x16xi32>,
        %get3A_124 = vector.shape_cast %get3A_123 : vector<1x16xi32> to vector<16xi32>
        %sub3A_125 = vector.broadcast %mul3A_35 : i32 to vector<16xi32>
        %sub3A_126 = arith.subi %get3A_124, %sub3A_125 : vector<16xi32>
        %ge3A_127 = arith.constant 0 : i32
        %ge3A_128 = vector.broadcast %ge3A_127 : i32 to vector<16xi32>
        %ge3A_129 = arith.cmpi sge, %sub3A_126, %ge3A_128 : vector<16xi32>
        %lt3A_130 = arith.constant 5000 : i32
        %lt3A_131 = vector.broadcast %lt3A_130 : i32 to vector<16xi32>
        %lt3A_132 = arith.cmpi slt, %sub3A_126, %lt3A_131 : vector<16xi32>
        %and3A_133 = arith.andi %ge3A_129, %lt3A_132 : vector<16xi1>
        %jit3A_134 = arith.constant 5000 : i32
        %broadcast_in_dim3A_135 = vector.broadcast %jit3A_134 : i32 to vector<16xi32>
        %select_n3A_136 = arith.select %and3A_133, %sub3A_126, %broadcast_in_dim3A_135 : vector<16xi1>, vector<16xi32>
        %swap3A_137 = arith.constant 0 : i32
        %swap3A_138 = arith.index_cast %swap3A_137 : i32 to index
        %swap3A_139 = arith.constant 64 : index
        %swap3A_140 = tpu.vector_load %arg4[%swap3A_138, %swap3A_139] {strides = array<i32>} : memref<2x128xi32, #tpu.memory_space<vmem>>, vector<1x16xi32>,
        %swap3A_141 = vector.shape_cast %swap3A_140 : vector<1x16xi32> to vector<16xi32>
        %swap3A_142 = vector.shape_cast %select_n3A_136 : vector<16xi32> to vector<1x16xi32>
        tpu.vector_store %arg4[%swap3A_138, %swap3A_139], %swap3A_142 {strides = array<i32>} : memref<2x128xi32, #tpu.memory_space<vmem>>, vector<1x16xi32>,
        %get3A_143 = arith.constant 0 : i32
        %get3A_144 = arith.index_cast %get3A_143 : i32 to index
        %get3A_145 = arith.constant 80 : index
        %get3A_146 = tpu.vector_load %arg4[%get3A_144, %get3A_145] {strides = array<i32>} : memref<2x128xi32, #tpu.memory_space<vmem>>, vector<1x16xi32>,
        %get3A_147 = vector.shape_cast %get3A_146 : vector<1x16xi32> to vector<16xi32>
        %sub3A_148 = vector.broadcast %mul3A_35 : i32 to vector<16xi32>
        %sub3A_149 = arith.subi %get3A_147, %sub3A_148 : vector<16xi32>
        %ge3A_150 = arith.constant 0 : i32
        %ge3A_151 = vector.broadcast %ge3A_150 : i32 to vector<16xi32>
        %ge3A_152 = arith.cmpi sge, %sub3A_149, %ge3A_151 : vector<16xi32>
        %lt3A_153 = arith.constant 5000 : i32
        %lt3A_154 = vector.broadcast %lt3A_153 : i32 to vector<16xi32>
        %lt3A_155 = arith.cmpi slt, %sub3A_149, %lt3A_154 : vector<16xi32>
        %and3A_156 = arith.andi %ge3A_152, %lt3A_155 : vector<16xi1>
        %jit3A_157 = arith.constant 5000 : i32
        %broadcast_in_dim3A_158 = vector.broadcast %jit3A_157 : i32 to vector<16xi32>
        %select_n3A_159 = arith.select %and3A_156, %sub3A_149, %broadcast_in_dim3A_158 : vector<16xi1>, vector<16xi32>
        %swap3A_160 = arith.constant 0 : i32
        %swap3A_161 = arith.index_cast %swap3A_160 : i32 to index
        %swap3A_162 = arith.constant 80 : index
        %swap3A_163 = tpu.vector_load %arg4[%swap3A_161, %swap3A_162] {strides = array<i32>} : memref<2x128xi32, #tpu.memory_space<vmem>>, vector<1x16xi32>,
        %swap3A_164 = vector.shape_cast %swap3A_163 : vector<1x16xi32> to vector<16xi32>
        %swap3A_165 = vector.shape_cast %select_n3A_159 : vector<16xi32> to vector<1x16xi32>
        tpu.vector_store %arg4[%swap3A_161, %swap3A_162], %swap3A_165 {strides = array<i32>} : memref<2x128xi32, #tpu.memory_space<vmem>>, vector<1x16xi32>,
        %get3A_166 = arith.constant 0 : i32
        %get3A_167 = arith.index_cast %get3A_166 : i32 to index
        %get3A_168 = arith.constant 96 : index
        %get3A_169 = tpu.vector_load %arg4[%get3A_167, %get3A_168] {strides = array<i32>} : memref<2x128xi32, #tpu.memory_space<vmem>>, vector<1x16xi32>,
        %get3A_170 = vector.shape_cast %get3A_169 : vector<1x16xi32> to vector<16xi32>
        %sub3A_171 = vector.broadcast %mul3A_35 : i32 to vector<16xi32>
        %sub3A_172 = arith.subi %get3A_170, %sub3A_171 : vector<16xi32>
        %ge3A_173 = arith.constant 0 : i32
        %ge3A_174 = vector.broadcast %ge3A_173 : i32 to vector<16xi32>
        %ge3A_175 = arith.cmpi sge, %sub3A_172, %ge3A_174 : vector<16xi32>
        %lt3A_176 = arith.constant 5000 : i32
        %lt3A_177 = vector.broadcast %lt3A_176 : i32 to vector<16xi32>
        %lt3A_178 = arith.cmpi slt, %sub3A_172, %lt3A_177 : vector<16xi32>
        %and3A_179 = arith.andi %ge3A_175, %lt3A_178 : vector<16xi1>
        %jit3A_180 = arith.constant 5000 : i32
        %broadcast_in_dim3A_181 = vector.broadcast %jit3A_180 : i32 to vector<16xi32>
        %select_n3A_182 = arith.select %and3A_179, %sub3A_172, %broadcast_in_dim3A_181 : vector<16xi1>, vector<16xi32>
        %swap3A_183 = arith.constant 0 : i32
        %swap3A_184 = arith.index_cast %swap3A_183 : i32 to index
        %swap3A_185 = arith.constant 96 : index
        %swap3A_186 = tpu.vector_load %arg4[%swap3A_184, %swap3A_185] {strides = array<i32>} : memref<2x128xi32, #tpu.memory_space<vmem>>, vector<1x16xi32>,
        %swap3A_187 = vector.shape_cast %swap3A_186 : vector<1x16xi32> to vector<16xi32>
        %swap3A_188 = vector.shape_cast %select_n3A_182 : vector<16xi32> to vector<1x16xi32>
        tpu.vector_store %arg4[%swap3A_184, %swap3A_185], %swap3A_188 {strides = array<i32>} : memref<2x128xi32, #tpu.memory_space<vmem>>, vector<1x16xi32>,
        %get3A_189 = arith.constant 0 : i32
        %get3A_190 = arith.index_cast %get3A_189 : i32 to index
        %get3A_191 = arith.constant 112 : index
        %get3A_192 = tpu.vector_load %arg4[%get3A_190, %get3A_191] {strides = array<i32>} : memref<2x128xi32, #tpu.memory_space<vmem>>, vector<1x16xi32>,
        %get3A_193 = vector.shape_cast %get3A_192 : vector<1x16xi32> to vector<16xi32>
        %sub3A_194 = vector.broadcast %mul3A_35 : i32 to vector<16xi32>
        %sub3A_195 = arith.subi %get3A_193, %sub3A_194 : vector<16xi32>
        %ge3A_196 = arith.constant 0 : i32
        %ge3A_197 = vector.broadcast %ge3A_196 : i32 to vector<16xi32>
        %ge3A_198 = arith.cmpi sge, %sub3A_195, %ge3A_197 : vector<16xi32>
        %lt3A_199 = arith.constant 5000 : i32
        %lt3A_200 = vector.broadcast %lt3A_199 : i32 to vector<16xi32>
        %lt3A_201 = arith.cmpi slt, %sub3A_195, %lt3A_200 : vector<16xi32>
        %and3A_202 = arith.andi %ge3A_198, %lt3A_201 : vector<16xi1>
        %jit3A_203 = arith.constant 5000 : i32
        %broadcast_in_dim3A_204 = vector.broadcast %jit3A_203 : i32 to vector<16xi32>
        %select_n3A_205 = arith.select %and3A_202, %sub3A_195, %broadcast_in_dim3A_204 : vector<16xi1>, vector<16xi32>
        %swap3A_206 = arith.constant 0 : i32
        %swap3A_207 = arith.index_cast %swap3A_206 : i32 to index
        %swap3A_208 = arith.constant 112 : index
        %swap3A_209 = tpu.vector_load %arg4[%swap3A_207, %swap3A_208] {strides = array<i32>} : memref<2x128xi32, #tpu.memory_space<vmem>>, vector<1x16xi32>,
        %swap3A_210 = vector.shape_cast %swap3A_209 : vector<1x16xi32> to vector<16xi32>
        %swap3A_211 = vector.shape_cast %select_n3A_205 : vector<16xi32> to vector<1x16xi32>
        tpu.vector_store %arg4[%swap3A_207, %swap3A_208], %swap3A_211 {strides = array<i32>} : memref<2x128xi32, #tpu.memory_space<vmem>>, vector<1x16xi32>,
        %run_scoped3A = arith.constant 0 : i32
        "tpu.region"() ({
          %run_scoped3A_399 = tpu.sem_alloc : memref<!tpu.dma_semaphore, #tpu.memory_space<semaphore_mem>>
          %dma_start3A = arith.constant 0 : i32
          %dma_start3A_400 = tpu.memref_slice %arg4[%run_scoped3A, %dma_start3A] : memref<2x128xi32, #tpu.memory_space<vmem>> -> memref<1x128xi32, #tpu.memory_space<vmem>>
          %dma_start3A_401 = tpu.memref_squeeze %dma_start3A_400 : memref<1x128xi32, #tpu.memory_space<vmem>> -> memref<128xi32, #tpu.memory_space<vmem>>
          %dma_start3A_402 = arith.constant 0 : i32
          %dma_start3A_403 = arith.constant 0 : i32
          %dma_start3A_404 = tpu.memref_slice %arg7[%dma_start3A_402, %dma_start3A_403] : memref<5008x16xf32, #tpu.memory_space<vmem_shared>> -> memref<5008x16xf32, #tpu.memory_space<vmem_shared>>
          tpu.enqueue_indirect_dma source(%arg5 : memref<128x16xf32, #tpu.memory_space<vmem>>) target(%dma_start3A_404 : memref<5008x16xf32, #tpu.memory_space<vmem_shared>>) offsets(%dma_start3A_401 : memref<128xi32, #tpu.memory_space<vmem>>) semaphore(%run_scoped3A_399 : memref<!tpu.dma_semaphore, #tpu.memory_space<semaphore_mem>>) {add = true}
          %dma_wait3A = arith.constant 0 : i32
          %dma_wait3A_405 = tpu.memref_slice %arg4[%run_scoped3A, %dma_wait3A] : memref<2x128xi32, #tpu.memory_space<vmem>> -> memref<1x128xi32, #tpu.memory_space<vmem>>
          %dma_wait3A_406 = tpu.memref_squeeze %dma_wait3A_405 : memref<1x128xi32, #tpu.memory_space<vmem>> -> memref<128xi32, #tpu.memory_space<vmem>>
          %dma_wait3A_407 = arith.constant 0 : i32
          %dma_wait3A_408 = arith.constant 0 : i32
          %dma_wait3A_409 = tpu.memref_slice %arg7[%dma_wait3A_407, %dma_wait3A_408] : memref<5008x16xf32, #tpu.memory_space<vmem_shared>> -> memref<5008x16xf32, #tpu.memory_space<vmem_shared>>
          tpu.wait_indirect_dma semaphore(%run_scoped3A_399 : memref<!tpu.dma_semaphore, #tpu.memory_space<semaphore_mem>>) src(%arg5 : memref<128x16xf32, #tpu.memory_space<vmem>>) dst(%dma_wait3A_409 : memref<5008x16xf32, #tpu.memory_space<vmem_shared>>)
          tpu.yield
        }) : () -> ()
        %mul3A_212 = arith.constant 5000 : i32
        %mul3A_213 = arith.muli %arg0, %mul3A_212 : i32
        %get3A_214 = arith.constant 1 : i32
        %get3A_215 = arith.index_cast %get3A_214 : i32 to index
        %get3A_216 = arith.constant 0 : index
        %get3A_217 = tpu.vector_load %arg4[%get3A_215, %get3A_216] {strides = array<i32>} : memref<2x128xi32, #tpu.memory_space<vmem>>, vector<1x16xi32>,
        %get3A_218 = vector.shape_cast %get3A_217 : vector<1x16xi32> to vector<16xi32>
        %sub3A_219 = vector.broadcast %mul3A_213 : i32 to vector<16xi32>
        %sub3A_220 = arith.subi %get3A_218, %sub3A_219 : vector<16xi32>
        %ge3A_221 = arith.constant 0 : i32
        %ge3A_222 = vector.broadcast %ge3A_221 : i32 to vector<16xi32>
        %ge3A_223 = arith.cmpi sge, %sub3A_220, %ge3A_222 : vector<16xi32>
        %lt3A_224 = arith.constant 5000 : i32
        %lt3A_225 = vector.broadcast %lt3A_224 : i32 to vector<16xi32>
        %lt3A_226 = arith.cmpi slt, %sub3A_220, %lt3A_225 : vector<16xi32>
        %and3A_227 = arith.andi %ge3A_223, %lt3A_226 : vector<16xi1>
        %jit3A_228 = arith.constant 5000 : i32
        %broadcast_in_dim3A_229 = vector.broadcast %jit3A_228 : i32 to vector<16xi32>
        %select_n3A_230 = arith.select %and3A_227, %sub3A_220, %broadcast_in_dim3A_229 : vector<16xi1>, vector<16xi32>
        %swap3A_231 = arith.constant 1 : i32
        %swap3A_232 = arith.index_cast %swap3A_231 : i32 to index
        %swap3A_233 = arith.constant 0 : index
        %swap3A_234 = tpu.vector_load %arg4[%swap3A_232, %swap3A_233] {strides = array<i32>} : memref<2x128xi32, #tpu.memory_space<vmem>>, vector<1x16xi32>,
        %swap3A_235 = vector.shape_cast %swap3A_234 : vector<1x16xi32> to vector<16xi32>
        %swap3A_236 = vector.shape_cast %select_n3A_230 : vector<16xi32> to vector<1x16xi32>
        tpu.vector_store %arg4[%swap3A_232, %swap3A_233], %swap3A_236 {strides = array<i32>} : memref<2x128xi32, #tpu.memory_space<vmem>>, vector<1x16xi32>,
        %get3A_237 = arith.constant 1 : i32
        %get3A_238 = arith.index_cast %get3A_237 : i32 to index
        %get3A_239 = arith.constant 16 : index
        %get3A_240 = tpu.vector_load %arg4[%get3A_238, %get3A_239] {strides = array<i32>} : memref<2x128xi32, #tpu.memory_space<vmem>>, vector<1x16xi32>,
        %get3A_241 = vector.shape_cast %get3A_240 : vector<1x16xi32> to vector<16xi32>
        %sub3A_242 = vector.broadcast %mul3A_213 : i32 to vector<16xi32>
        %sub3A_243 = arith.subi %get3A_241, %sub3A_242 : vector<16xi32>
        %ge3A_244 = arith.constant 0 : i32
        %ge3A_245 = vector.broadcast %ge3A_244 : i32 to vector<16xi32>
        %ge3A_246 = arith.cmpi sge, %sub3A_243, %ge3A_245 : vector<16xi32>
        %lt3A_247 = arith.constant 5000 : i32
        %lt3A_248 = vector.broadcast %lt3A_247 : i32 to vector<16xi32>
        %lt3A_249 = arith.cmpi slt, %sub3A_243, %lt3A_248 : vector<16xi32>
        %and3A_250 = arith.andi %ge3A_246, %lt3A_249 : vector<16xi1>
        %jit3A_251 = arith.constant 5000 : i32
        %broadcast_in_dim3A_252 = vector.broadcast %jit3A_251 : i32 to vector<16xi32>
        %select_n3A_253 = arith.select %and3A_250, %sub3A_243, %broadcast_in_dim3A_252 : vector<16xi1>, vector<16xi32>
        %swap3A_254 = arith.constant 1 : i32
        %swap3A_255 = arith.index_cast %swap3A_254 : i32 to index
        %swap3A_256 = arith.constant 16 : index
        %swap3A_257 = tpu.vector_load %arg4[%swap3A_255, %swap3A_256] {strides = array<i32>} : memref<2x128xi32, #tpu.memory_space<vmem>>, vector<1x16xi32>,
        %swap3A_258 = vector.shape_cast %swap3A_257 : vector<1x16xi32> to vector<16xi32>
        %swap3A_259 = vector.shape_cast %select_n3A_253 : vector<16xi32> to vector<1x16xi32>
        tpu.vector_store %arg4[%swap3A_255, %swap3A_256], %swap3A_259 {strides = array<i32>} : memref<2x128xi32, #tpu.memory_space<vmem>>, vector<1x16xi32>,
        %get3A_260 = arith.constant 1 : i32
        %get3A_261 = arith.index_cast %get3A_260 : i32 to index
        %get3A_262 = arith.constant 32 : index
        %get3A_263 = tpu.vector_load %arg4[%get3A_261, %get3A_262] {strides = array<i32>} : memref<2x128xi32, #tpu.memory_space<vmem>>, vector<1x16xi32>,
        %get3A_264 = vector.shape_cast %get3A_263 : vector<1x16xi32> to vector<16xi32>
        %sub3A_265 = vector.broadcast %mul3A_213 : i32 to vector<16xi32>
        %sub3A_266 = arith.subi %get3A_264, %sub3A_265 : vector<16xi32>
        %ge3A_267 = arith.constant 0 : i32
        %ge3A_268 = vector.broadcast %ge3A_267 : i32 to vector<16xi32>
        %ge3A_269 = arith.cmpi sge, %sub3A_266, %ge3A_268 : vector<16xi32>
        %lt3A_270 = arith.constant 5000 : i32
        %lt3A_271 = vector.broadcast %lt3A_270 : i32 to vector<16xi32>
        %lt3A_272 = arith.cmpi slt, %sub3A_266, %lt3A_271 : vector<16xi32>
        %and3A_273 = arith.andi %ge3A_269, %lt3A_272 : vector<16xi1>
        %jit3A_274 = arith.constant 5000 : i32
        %broadcast_in_dim3A_275 = vector.broadcast %jit3A_274 : i32 to vector<16xi32>
        %select_n3A_276 = arith.select %and3A_273, %sub3A_266, %broadcast_in_dim3A_275 : vector<16xi1>, vector<16xi32>
        %swap3A_277 = arith.constant 1 : i32
        %swap3A_278 = arith.index_cast %swap3A_277 : i32 to index
        %swap3A_279 = arith.constant 32 : index
        %swap3A_280 = tpu.vector_load %arg4[%swap3A_278, %swap3A_279] {strides = array<i32>} : memref<2x128xi32, #tpu.memory_space<vmem>>, vector<1x16xi32>,
        %swap3A_281 = vector.shape_cast %swap3A_280 : vector<1x16xi32> to vector<16xi32>
        %swap3A_282 = vector.shape_cast %select_n3A_276 : vector<16xi32> to vector<1x16xi32>
        tpu.vector_store %arg4[%swap3A_278, %swap3A_279], %swap3A_282 {strides = array<i32>} : memref<2x128xi32, #tpu.memory_space<vmem>>, vector<1x16xi32>,
        %get3A_283 = arith.constant 1 : i32
        %get3A_284 = arith.index_cast %get3A_283 : i32 to index
        %get3A_285 = arith.constant 48 : index
        %get3A_286 = tpu.vector_load %arg4[%get3A_284, %get3A_285] {strides = array<i32>} : memref<2x128xi32, #tpu.memory_space<vmem>>, vector<1x16xi32>,
        %get3A_287 = vector.shape_cast %get3A_286 : vector<1x16xi32> to vector<16xi32>
        %sub3A_288 = vector.broadcast %mul3A_213 : i32 to vector<16xi32>
        %sub3A_289 = arith.subi %get3A_287, %sub3A_288 : vector<16xi32>
        %ge3A_290 = arith.constant 0 : i32
        %ge3A_291 = vector.broadcast %ge3A_290 : i32 to vector<16xi32>
        %ge3A_292 = arith.cmpi sge, %sub3A_289, %ge3A_291 : vector<16xi32>
        %lt3A_293 = arith.constant 5000 : i32
        %lt3A_294 = vector.broadcast %lt3A_293 : i32 to vector<16xi32>
        %lt3A_295 = arith.cmpi slt, %sub3A_289, %lt3A_294 : vector<16xi32>
        %and3A_296 = arith.andi %ge3A_292, %lt3A_295 : vector<16xi1>
        %jit3A_297 = arith.constant 5000 : i32
        %broadcast_in_dim3A_298 = vector.broadcast %jit3A_297 : i32 to vector<16xi32>
        %select_n3A_299 = arith.select %and3A_296, %sub3A_289, %broadcast_in_dim3A_298 : vector<16xi1>, vector<16xi32>
        %swap3A_300 = arith.constant 1 : i32
        %swap3A_301 = arith.index_cast %swap3A_300 : i32 to index
        %swap3A_302 = arith.constant 48 : index
        %swap3A_303 = tpu.vector_load %arg4[%swap3A_301, %swap3A_302] {strides = array<i32>} : memref<2x128xi32, #tpu.memory_space<vmem>>, vector<1x16xi32>,
        %swap3A_304 = vector.shape_cast %swap3A_303 : vector<1x16xi32> to vector<16xi32>
        %swap3A_305 = vector.shape_cast %select_n3A_299 : vector<16xi32> to vector<1x16xi32>
        tpu.vector_store %arg4[%swap3A_301, %swap3A_302], %swap3A_305 {strides = array<i32>} : memref<2x128xi32, #tpu.memory_space<vmem>>, vector<1x16xi32>,
        %get3A_306 = arith.constant 1 : i32
        %get3A_307 = arith.index_cast %get3A_306 : i32 to index
        %get3A_308 = arith.constant 64 : index
        %get3A_309 = tpu.vector_load %arg4[%get3A_307, %get3A_308] {strides = array<i32>} : memref<2x128xi32, #tpu.memory_space<vmem>>, vector<1x16xi32>,
        %get3A_310 = vector.shape_cast %get3A_309 : vector<1x16xi32> to vector<16xi32>
        %sub3A_311 = vector.broadcast %mul3A_213 : i32 to vector<16xi32>
        %sub3A_312 = arith.subi %get3A_310, %sub3A_311 : vector<16xi32>
        %ge3A_313 = arith.constant 0 : i32
        %ge3A_314 = vector.broadcast %ge3A_313 : i32 to vector<16xi32>
        %ge3A_315 = arith.cmpi sge, %sub3A_312, %ge3A_314 : vector<16xi32>
        %lt3A_316 = arith.constant 5000 : i32
        %lt3A_317 = vector.broadcast %lt3A_316 : i32 to vector<16xi32>
        %lt3A_318 = arith.cmpi slt, %sub3A_312, %lt3A_317 : vector<16xi32>
        %and3A_319 = arith.andi %ge3A_315, %lt3A_318 : vector<16xi1>
        %jit3A_320 = arith.constant 5000 : i32
        %broadcast_in_dim3A_321 = vector.broadcast %jit3A_320 : i32 to vector<16xi32>
        %select_n3A_322 = arith.select %and3A_319, %sub3A_312, %broadcast_in_dim3A_321 : vector<16xi1>, vector<16xi32>
        %swap3A_323 = arith.constant 1 : i32
        %swap3A_324 = arith.index_cast %swap3A_323 : i32 to index
        %swap3A_325 = arith.constant 64 : index
        %swap3A_326 = tpu.vector_load %arg4[%swap3A_324, %swap3A_325] {strides = array<i32>} : memref<2x128xi32, #tpu.memory_space<vmem>>, vector<1x16xi32>,
        %swap3A_327 = vector.shape_cast %swap3A_326 : vector<1x16xi32> to vector<16xi32>
        %swap3A_328 = vector.shape_cast %select_n3A_322 : vector<16xi32> to vector<1x16xi32>
        tpu.vector_store %arg4[%swap3A_324, %swap3A_325], %swap3A_328 {strides = array<i32>} : memref<2x128xi32, #tpu.memory_space<vmem>>, vector<1x16xi32>,
        %get3A_329 = arith.constant 1 : i32
        %get3A_330 = arith.index_cast %get3A_329 : i32 to index
        %get3A_331 = arith.constant 80 : index
        %get3A_332 = tpu.vector_load %arg4[%get3A_330, %get3A_331] {strides = array<i32>} : memref<2x128xi32, #tpu.memory_space<vmem>>, vector<1x16xi32>,
        %get3A_333 = vector.shape_cast %get3A_332 : vector<1x16xi32> to vector<16xi32>
        %sub3A_334 = vector.broadcast %mul3A_213 : i32 to vector<16xi32>
        %sub3A_335 = arith.subi %get3A_333, %sub3A_334 : vector<16xi32>
        %ge3A_336 = arith.constant 0 : i32
        %ge3A_337 = vector.broadcast %ge3A_336 : i32 to vector<16xi32>
        %ge3A_338 = arith.cmpi sge, %sub3A_335, %ge3A_337 : vector<16xi32>
        %lt3A_339 = arith.constant 5000 : i32
        %lt3A_340 = vector.broadcast %lt3A_339 : i32 to vector<16xi32>
        %lt3A_341 = arith.cmpi slt, %sub3A_335, %lt3A_340 : vector<16xi32>
        %and3A_342 = arith.andi %ge3A_338, %lt3A_341 : vector<16xi1>
        %jit3A_343 = arith.constant 5000 : i32
        %broadcast_in_dim3A_344 = vector.broadcast %jit3A_343 : i32 to vector<16xi32>
        %select_n3A_345 = arith.select %and3A_342, %sub3A_335, %broadcast_in_dim3A_344 : vector<16xi1>, vector<16xi32>
        %swap3A_346 = arith.constant 1 : i32
        %swap3A_347 = arith.index_cast %swap3A_346 : i32 to index
        %swap3A_348 = arith.constant 80 : index
        %swap3A_349 = tpu.vector_load %arg4[%swap3A_347, %swap3A_348] {strides = array<i32>} : memref<2x128xi32, #tpu.memory_space<vmem>>, vector<1x16xi32>,
        %swap3A_350 = vector.shape_cast %swap3A_349 : vector<1x16xi32> to vector<16xi32>
        %swap3A_351 = vector.shape_cast %select_n3A_345 : vector<16xi32> to vector<1x16xi32>
        tpu.vector_store %arg4[%swap3A_347, %swap3A_348], %swap3A_351 {strides = array<i32>} : memref<2x128xi32, #tpu.memory_space<vmem>>, vector<1x16xi32>,
        %get3A_352 = arith.constant 1 : i32
        %get3A_353 = arith.index_cast %get3A_352 : i32 to index
        %get3A_354 = arith.constant 96 : index
        %get3A_355 = tpu.vector_load %arg4[%get3A_353, %get3A_354] {strides = array<i32>} : memref<2x128xi32, #tpu.memory_space<vmem>>, vector<1x16xi32>,
        %get3A_356 = vector.shape_cast %get3A_355 : vector<1x16xi32> to vector<16xi32>
        %sub3A_357 = vector.broadcast %mul3A_213 : i32 to vector<16xi32>
        %sub3A_358 = arith.subi %get3A_356, %sub3A_357 : vector<16xi32>
        %ge3A_359 = arith.constant 0 : i32
        %ge3A_360 = vector.broadcast %ge3A_359 : i32 to vector<16xi32>
        %ge3A_361 = arith.cmpi sge, %sub3A_358, %ge3A_360 : vector<16xi32>
        %lt3A_362 = arith.constant 5000 : i32
        %lt3A_363 = vector.broadcast %lt3A_362 : i32 to vector<16xi32>
        %lt3A_364 = arith.cmpi slt, %sub3A_358, %lt3A_363 : vector<16xi32>
        %and3A_365 = arith.andi %ge3A_361, %lt3A_364 : vector<16xi1>
        %jit3A_366 = arith.constant 5000 : i32
        %broadcast_in_dim3A_367 = vector.broadcast %jit3A_366 : i32 to vector<16xi32>
        %select_n3A_368 = arith.select %and3A_365, %sub3A_358, %broadcast_in_dim3A_367 : vector<16xi1>, vector<16xi32>
        %swap3A_369 = arith.constant 1 : i32
        %swap3A_370 = arith.index_cast %swap3A_369 : i32 to index
        %swap3A_371 = arith.constant 96 : index
        %swap3A_372 = tpu.vector_load %arg4[%swap3A_370, %swap3A_371] {strides = array<i32>} : memref<2x128xi32, #tpu.memory_space<vmem>>, vector<1x16xi32>,
        %swap3A_373 = vector.shape_cast %swap3A_372 : vector<1x16xi32> to vector<16xi32>
        %swap3A_374 = vector.shape_cast %select_n3A_368 : vector<16xi32> to vector<1x16xi32>
        tpu.vector_store %arg4[%swap3A_370, %swap3A_371], %swap3A_374 {strides = array<i32>} : memref<2x128xi32, #tpu.memory_space<vmem>>, vector<1x16xi32>,
        %get3A_375 = arith.constant 1 : i32
        %get3A_376 = arith.index_cast %get3A_375 : i32 to index
        %get3A_377 = arith.constant 112 : index
        %get3A_378 = tpu.vector_load %arg4[%get3A_376, %get3A_377] {strides = array<i32>} : memref<2x128xi32, #tpu.memory_space<vmem>>, vector<1x16xi32>,
        %get3A_379 = vector.shape_cast %get3A_378 : vector<1x16xi32> to vector<16xi32>
        %sub3A_380 = vector.broadcast %mul3A_213 : i32 to vector<16xi32>
        %sub3A_381 = arith.subi %get3A_379, %sub3A_380 : vector<16xi32>
        %ge3A_382 = arith.constant 0 : i32
        %ge3A_383 = vector.broadcast %ge3A_382 : i32 to vector<16xi32>
        %ge3A_384 = arith.cmpi sge, %sub3A_381, %ge3A_383 : vector<16xi32>
        %lt3A_385 = arith.constant 5000 : i32
        %lt3A_386 = vector.broadcast %lt3A_385 : i32 to vector<16xi32>
        %lt3A_387 = arith.cmpi slt, %sub3A_381, %lt3A_386 : vector<16xi32>
        %and3A_388 = arith.andi %ge3A_384, %lt3A_387 : vector<16xi1>
        %jit3A_389 = arith.constant 5000 : i32
        %broadcast_in_dim3A_390 = vector.broadcast %jit3A_389 : i32 to vector<16xi32>
        %select_n3A_391 = arith.select %and3A_388, %sub3A_381, %broadcast_in_dim3A_390 : vector<16xi1>, vector<16xi32>
        %swap3A_392 = arith.constant 1 : i32
        %swap3A_393 = arith.index_cast %swap3A_392 : i32 to index
        %swap3A_394 = arith.constant 112 : index
        %swap3A_395 = tpu.vector_load %arg4[%swap3A_393, %swap3A_394] {strides = array<i32>} : memref<2x128xi32, #tpu.memory_space<vmem>>, vector<1x16xi32>,
        %swap3A_396 = vector.shape_cast %swap3A_395 : vector<1x16xi32> to vector<16xi32>
        %swap3A_397 = vector.shape_cast %select_n3A_391 : vector<16xi32> to vector<1x16xi32>
        tpu.vector_store %arg4[%swap3A_393, %swap3A_394], %swap3A_397 {strides = array<i32>} : memref<2x128xi32, #tpu.memory_space<vmem>>, vector<1x16xi32>,
        %run_scoped3A_398 = arith.constant 1 : i32
        "tpu.region"() ({
          %run_scoped3A_399 = tpu.sem_alloc : memref<!tpu.dma_semaphore, #tpu.memory_space<semaphore_mem>>
          %dma_start3A = arith.constant 0 : i32
          %dma_start3A_400 = tpu.memref_slice %arg4[%run_scoped3A_398, %dma_start3A] : memref<2x128xi32, #tpu.memory_space<vmem>> -> memref<1x128xi32, #tpu.memory_space<vmem>>
          %dma_start3A_401 = tpu.memref_squeeze %dma_start3A_400 : memref<1x128xi32, #tpu.memory_space<vmem>> -> memref<128xi32, #tpu.memory_space<vmem>>
          %dma_start3A_402 = arith.constant 0 : i32
          %dma_start3A_403 = arith.constant 0 : i32
          %dma_start3A_404 = tpu.memref_slice %arg7[%dma_start3A_402, %dma_start3A_403] : memref<5008x16xf32, #tpu.memory_space<vmem_shared>> -> memref<5008x16xf32, #tpu.memory_space<vmem_shared>>
          tpu.enqueue_indirect_dma source(%arg5 : memref<128x16xf32, #tpu.memory_space<vmem>>) target(%dma_start3A_404 : memref<5008x16xf32, #tpu.memory_space<vmem_shared>>) offsets(%dma_start3A_401 : memref<128xi32, #tpu.memory_space<vmem>>) semaphore(%run_scoped3A_399 : memref<!tpu.dma_semaphore, #tpu.memory_space<semaphore_mem>>) {add = true}
          %dma_wait3A = arith.constant 0 : i32
          %dma_wait3A_405 = tpu.memref_slice %arg4[%run_scoped3A_398, %dma_wait3A] : memref<2x128xi32, #tpu.memory_space<vmem>> -> memref<1x128xi32, #tpu.memory_space<vmem>>
          %dma_wait3A_406 = tpu.memref_squeeze %dma_wait3A_405 : memref<1x128xi32, #tpu.memory_space<vmem>> -> memref<128xi32, #tpu.memory_space<vmem>>
          %dma_wait3A_407 = arith.constant 0 : i32
          %dma_wait3A_408 = arith.constant 0 : i32
          %dma_wait3A_409 = tpu.memref_slice %arg7[%dma_wait3A_407, %dma_wait3A_408] : memref<5008x16xf32, #tpu.memory_space<vmem_shared>> -> memref<5008x16xf32, #tpu.memory_space<vmem_shared>>
          tpu.wait_indirect_dma semaphore(%run_scoped3A_399 : memref<!tpu.dma_semaphore, #tpu.memory_space<semaphore_mem>>) src(%arg5 : memref<128x16xf32, #tpu.memory_space<vmem>>) dst(%dma_wait3A_409 : memref<5008x16xf32, #tpu.memory_space<vmem_shared>>)
          tpu.yield
        }) : () -> ()
      } else {
      }
    }
    %scan3A_13 = arith.constant 40 : i32
    %barrier3A_14 = arith.constant 0 : index
    tpu.barrier barrier_id(%barrier3A_14)
    %mul3A_15 = arith.constant 312 : i32
    %mul3A_16 = arith.muli %arg1, %mul3A_15 : i32
    "tpu.region"() ({
      %run_scoped3A = tpu.sem_alloc : memref<!tpu.dma_semaphore, #tpu.memory_space<semaphore_mem>>
      %dma_start3A = arith.constant 0 : i32
      %dma_start3A_26 = tpu.memref_slice %arg7[%mul3A_16, %dma_start3A] : memref<5008x16xf32, #tpu.memory_space<vmem_shared>> -> memref<312x16xf32, #tpu.memory_space<vmem_shared>>
      %dma_start3A_27 = arith.constant 0 : i32
      %dma_start3A_28 = tpu.memref_slice %arg7[%mul3A_16, %dma_start3A_27] : memref<5008x16xf32, #tpu.memory_space<vmem_shared>> -> memref<312x16xf32, #tpu.memory_space<vmem_shared>>
      tpu.enqueue_dma source(%dma_start3A_28 : memref<312x16xf32, #tpu.memory_space<vmem_shared>>) target(%arg6 : memref<312x16xf32, #tpu.memory_space<vmem>>) target_semaphore(%run_scoped3A : memref<!tpu.dma_semaphore, #tpu.memory_space<semaphore_mem>>)
      %dma_wait3A = arith.constant 0 : i32
      %dma_wait3A_29 = tpu.memref_slice %arg7[%mul3A_16, %dma_wait3A] : memref<5008x16xf32, #tpu.memory_space<vmem_shared>> -> memref<312x16xf32, #tpu.memory_space<vmem_shared>>
      %dma_wait3A_30 = arith.constant 0 : i32
      %dma_wait3A_31 = tpu.memref_slice %arg7[%mul3A_16, %dma_wait3A_30] : memref<5008x16xf32, #tpu.memory_space<vmem_shared>> -> memref<312x16xf32, #tpu.memory_space<vmem_shared>>
      tpu.wait_dma2 semaphore(%run_scoped3A : memref<!tpu.dma_semaphore, #tpu.memory_space<semaphore_mem>>) src(%dma_wait3A_31 : memref<312x16xf32, #tpu.memory_space<vmem_shared>>) dst(%arg6 : memref<312x16xf32, #tpu.memory_space<vmem>>)
      tpu.yield
    }) : () -> ()
    %mul3A_17 = arith.constant 5000 : i32
    %mul3A_18 = arith.muli %arg0, %mul3A_17 : i32
    %mul3A_19 = arith.constant 312 : i32
    %mul3A_20 = arith.muli %arg1, %mul3A_19 : i32
    %add3A = arith.addi %mul3A_18, %mul3A_20 : i32
    "tpu.region"() ({
      %run_scoped3A = tpu.sem_alloc : memref<!tpu.dma_semaphore, #tpu.memory_space<semaphore_mem>>
      %dma_start3A = arith.constant 0 : i32
      %dma_start3A_26 = tpu.memref_slice %arg3[%add3A, %dma_start3A] : memref<10000x16xf32, #tpu.memory_space<hbm>> -> memref<312x16xf32, #tpu.memory_space<hbm>>
      %dma_start3A_27 = arith.constant 0 : i32
      %dma_start3A_28 = tpu.memref_slice %arg3[%add3A, %dma_start3A_27] : memref<10000x16xf32, #tpu.memory_space<hbm>> -> memref<312x16xf32, #tpu.memory_space<hbm>>
      tpu.enqueue_dma source(%arg6 : memref<312x16xf32, #tpu.memory_space<vmem>>) target(%dma_start3A_28 : memref<312x16xf32, #tpu.memory_space<hbm>>) target_semaphore(%run_scoped3A : memref<!tpu.dma_semaphore, #tpu.memory_space<semaphore_mem>>)
      %dma_wait3A = arith.constant 0 : i32
      %dma_wait3A_29 = tpu.memref_slice %arg3[%add3A, %dma_wait3A] : memref<10000x16xf32, #tpu.memory_space<hbm>> -> memref<312x16xf32, #tpu.memory_space<hbm>>
      %dma_wait3A_30 = arith.constant 0 : i32
      %dma_wait3A_31 = tpu.memref_slice %arg3[%add3A, %dma_wait3A_30] : memref<10000x16xf32, #tpu.memory_space<hbm>> -> memref<312x16xf32, #tpu.memory_space<hbm>>
      tpu.wait_dma2 semaphore(%run_scoped3A : memref<!tpu.dma_semaphore, #tpu.memory_space<semaphore_mem>>) src(%arg6 : memref<312x16xf32, #tpu.memory_space<vmem>>) dst(%dma_wait3A_31 : memref<312x16xf32, #tpu.memory_space<hbm>>)
      tpu.yield
    }) : () -> ()
    %eq3A_21 = arith.constant 0 : i32
    %eq3A_22 = arith.cmpi eq, %arg1, %eq3A_21 : i32
    %convert_element_type3A_23 = arith.extui %eq3A_22 : i1 to i32
    %cond3A_24 = arith.constant 0 : i32
    %cond3A_25 = arith.cmpi ne, %convert_element_type3A_23, %cond3A_24 : i32
    scf.if %cond3A_25 {
      "tpu.region"() ({
        %run_scoped3A = tpu.sem_alloc : memref<!tpu.dma_semaphore, #tpu.memory_space<semaphore_mem>>
        %dma_start3A = arith.constant 0 : i32
        %dma_start3A_30 = arith.constant 0 : i32
        %dma_start3A_31 = tpu.memref_slice %arg6[%dma_start3A, %dma_start3A_30] : memref<312x16xf32, #tpu.memory_space<vmem>> -> memref<8x16xf32, #tpu.memory_space<vmem>>
        %dma_start3A_32 = arith.constant 4992 : i32
        %dma_start3A_33 = arith.constant 0 : i32
        %dma_start3A_34 = tpu.memref_slice %arg7[%dma_start3A_32, %dma_start3A_33] : memref<5008x16xf32, #tpu.memory_space<vmem_shared>> -> memref<8x16xf32, #tpu.memory_space<vmem_shared>>
        %dma_start3A_35 = arith.constant 0 : i32
        %dma_start3A_36 = arith.constant 0 : i32
        %dma_start3A_37 = tpu.memref_slice %arg6[%dma_start3A_35, %dma_start3A_36] : memref<312x16xf32, #tpu.memory_space<vmem>> -> memref<8x16xf32, #tpu.memory_space<vmem>>
        %dma_start3A_38 = arith.constant 4992 : i32
        %dma_start3A_39 = arith.constant 0 : i32
        %dma_start3A_40 = tpu.memref_slice %arg7[%dma_start3A_38, %dma_start3A_39] : memref<5008x16xf32, #tpu.memory_space<vmem_shared>> -> memref<8x16xf32, #tpu.memory_space<vmem_shared>>
        tpu.enqueue_dma source(%dma_start3A_40 : memref<8x16xf32, #tpu.memory_space<vmem_shared>>) target(%dma_start3A_37 : memref<8x16xf32, #tpu.memory_space<vmem>>) target_semaphore(%run_scoped3A : memref<!tpu.dma_semaphore, #tpu.memory_space<semaphore_mem>>)
        %dma_wait3A = arith.constant 0 : i32
        %dma_wait3A_41 = arith.constant 0 : i32
        %dma_wait3A_42 = tpu.memref_slice %arg6[%dma_wait3A, %dma_wait3A_41] : memref<312x16xf32, #tpu.memory_space<vmem>> -> memref<8x16xf32, #tpu.memory_space<vmem>>
        %dma_wait3A_43 = arith.constant 4992 : i32
        %dma_wait3A_44 = arith.constant 0 : i32
        %dma_wait3A_45 = tpu.memref_slice %arg7[%dma_wait3A_43, %dma_wait3A_44] : memref<5008x16xf32, #tpu.memory_space<vmem_shared>> -> memref<8x16xf32, #tpu.memory_space<vmem_shared>>
        %dma_wait3A_46 = arith.constant 0 : i32
        %dma_wait3A_47 = arith.constant 0 : i32
        %dma_wait3A_48 = tpu.memref_slice %arg6[%dma_wait3A_46, %dma_wait3A_47] : memref<312x16xf32, #tpu.memory_space<vmem>> -> memref<8x16xf32, #tpu.memory_space<vmem>>
        %dma_wait3A_49 = arith.constant 4992 : i32
        %dma_wait3A_50 = arith.constant 0 : i32
        %dma_wait3A_51 = tpu.memref_slice %arg7[%dma_wait3A_49, %dma_wait3A_50] : memref<5008x16xf32, #tpu.memory_space<vmem_shared>> -> memref<8x16xf32, #tpu.memory_space<vmem_shared>>
        tpu.wait_dma2 semaphore(%run_scoped3A : memref<!tpu.dma_semaphore, #tpu.memory_space<semaphore_mem>>) src(%dma_wait3A_51 : memref<8x16xf32, #tpu.memory_space<vmem_shared>>) dst(%dma_wait3A_48 : memref<8x16xf32, #tpu.memory_space<vmem>>)
        tpu.yield
      }) : () -> ()
      %mul3A_26 = arith.constant 5000 : i32
      %mul3A_27 = arith.muli %arg0, %mul3A_26 : i32
      %add3A_28 = arith.constant 4992 : i32
      %add3A_29 = arith.addi %mul3A_27, %add3A_28 : i32
      "tpu.region"() ({
        %run_scoped3A = tpu.sem_alloc : memref<!tpu.dma_semaphore, #tpu.memory_space<semaphore_mem>>
        %dma_start3A = arith.constant 0 : i32
        %dma_start3A_30 = arith.constant 0 : i32
        %dma_start3A_31 = tpu.memref_slice %arg6[%dma_start3A, %dma_start3A_30] : memref<312x16xf32, #tpu.memory_space<vmem>> -> memref<8x16xf32, #tpu.memory_space<vmem>>
        %dma_start3A_32 = arith.constant 0 : i32
        %dma_start3A_33 = tpu.memref_slice %arg3[%add3A_29, %dma_start3A_32] : memref<10000x16xf32, #tpu.memory_space<hbm>> -> memref<8x16xf32, #tpu.memory_space<hbm>>
        %dma_start3A_34 = arith.constant 0 : i32
        %dma_start3A_35 = tpu.memref_slice %arg3[%add3A_29, %dma_start3A_34] : memref<10000x16xf32, #tpu.memory_space<hbm>> -> memref<8x16xf32, #tpu.memory_space<hbm>>
        %dma_start3A_36 = arith.constant 0 : i32
        %dma_start3A_37 = arith.constant 0 : i32
        %dma_start3A_38 = tpu.memref_slice %arg6[%dma_start3A_36, %dma_start3A_37] : memref<312x16xf32, #tpu.memory_space<vmem>> -> memref<8x16xf32, #tpu.memory_space<vmem>>
        tpu.enqueue_dma source(%dma_start3A_38 : memref<8x16xf32, #tpu.memory_space<vmem>>) target(%dma_start3A_35 : memref<8x16xf32, #tpu.memory_space<hbm>>) target_semaphore(%run_scoped3A : memref<!tpu.dma_semaphore, #tpu.memory_space<semaphore_mem>>)
        %dma_wait3A = arith.constant 0 : i32
        %dma_wait3A_39 = arith.constant 0 : i32
        %dma_wait3A_40 = tpu.memref_slice %arg6[%dma_wait3A, %dma_wait3A_39] : memref<312x16xf32, #tpu.memory_space<vmem>> -> memref<8x16xf32, #tpu.memory_space<vmem>>
        %dma_wait3A_41 = arith.constant 0 : i32
        %dma_wait3A_42 = tpu.memref_slice %arg3[%add3A_29, %dma_wait3A_41] : memref<10000x16xf32, #tpu.memory_space<hbm>> -> memref<8x16xf32, #tpu.memory_space<hbm>>
        %dma_wait3A_43 = arith.constant 0 : i32
        %dma_wait3A_44 = tpu.memref_slice %arg3[%add3A_29, %dma_wait3A_43] : memref<10000x16xf32, #tpu.memory_space<hbm>> -> memref<8x16xf32, #tpu.memory_space<hbm>>
        %dma_wait3A_45 = arith.constant 0 : i32
        %dma_wait3A_46 = arith.constant 0 : i32
        %dma_wait3A_47 = tpu.memref_slice %arg6[%dma_wait3A_45, %dma_wait3A_46] : memref<312x16xf32, #tpu.memory_space<vmem>> -> memref<8x16xf32, #tpu.memory_space<vmem>>
        tpu.wait_dma2 semaphore(%run_scoped3A : memref<!tpu.dma_semaphore, #tpu.memory_space<semaphore_mem>>) src(%dma_wait3A_47 : memref<8x16xf32, #tpu.memory_space<vmem>>) dst(%dma_wait3A_44 : memref<8x16xf32, #tpu.memory_space<hbm>>)
        tpu.yield
      }) : () -> ()
    } else {
    }
    return
  }
}

#map = affine_map<(d0, d1) -> (0)>
#map1 = affine_map<(d0, d1) -> (0, 0)>
module attributes {stable_mosaic.version = 14 : i64} {
  func.func @k(%arg0: i32, %arg1: i32, %arg2: memref<160000xi32, #tpu.memory_space<hbm>>, %arg3: memref<160000xi32, #tpu.memory_space<hbm>>, %arg4: memref<10000x128xf32, #tpu.memory_space<hbm>>, %arg5: memref<10000x128xf32, #tpu.memory_space<hbm>>, %arg6: memref<128xi32, #tpu.memory_space<vmem>>, %arg7: memref<1x128xi32, #tpu.memory_space<vmem>>, %arg8: memref<128x128xf32, #tpu.memory_space<vmem>>, %arg9: memref<312x128xf32, #tpu.memory_space<vmem>>, %arg10: memref<5008x128xf32, #tpu.memory_space<vmem_shared>>, %arg11: memref<!tpu.dma_semaphore, #tpu.memory_space<semaphore_mem>>) attributes {dimension_semantics = [#tpu.dimension_semantics<core_parallel>, #tpu.dimension_semantics<subcore_parallel>], iteration_bounds = array<i64: 2, 16>, scalar_prefetch = 0 : i64, scratch_operands = 6 : i64, tpu.core_type = #tpu.core_type<sc_vector_subcore>, window_params = [{transform_indices = #map}, {transform_indices = #map}, {transform_indices = #map1}, {transform_indices = #map1}]} {
    %scan3A = arith.constant 0 : i32
    %scan3A_0 = arith.constant 0 : i32
    %scan3A_1 = arith.constant 312 : i32
    %scan3A_2 = arith.addi %scan3A_0, %scan3A_1 : i32
    %scan3A_3 = arith.constant 1 : i32
    scf.for %scan3A_26 = %scan3A_0 to %scan3A_2 step %scan3A_3  : i32 {
      %broadcast_in_dim3A = arith.constant 0.000000e+00 : f32
      %broadcast_in_dim3A_27 = vector.broadcast %broadcast_in_dim3A : f32 to vector<16xf32>
      %swap3A = arith.index_cast %scan3A_26 : i32 to index
      %swap3A_28 = arith.constant 0 : index
      %swap3A_29 = tpu.vector_load %arg9[%swap3A, %swap3A_28] {strides = array<i32>} : memref<312x128xf32, #tpu.memory_space<vmem>>, vector<1x16xf32>,
      %swap3A_30 = vector.shape_cast %swap3A_29 : vector<1x16xf32> to vector<16xf32>
      %swap3A_31 = vector.shape_cast %broadcast_in_dim3A_27 : vector<16xf32> to vector<1x16xf32>
      tpu.vector_store %arg9[%swap3A, %swap3A_28], %swap3A_31 {strides = array<i32>} : memref<312x128xf32, #tpu.memory_space<vmem>>, vector<1x16xf32>,
      %broadcast_in_dim3A_32 = arith.constant 0.000000e+00 : f32
      %broadcast_in_dim3A_33 = vector.broadcast %broadcast_in_dim3A_32 : f32 to vector<16xf32>
      %swap3A_34 = arith.index_cast %scan3A_26 : i32 to index
      %swap3A_35 = arith.constant 16 : index
      %swap3A_36 = tpu.vector_load %arg9[%swap3A_34, %swap3A_35] {strides = array<i32>} : memref<312x128xf32, #tpu.memory_space<vmem>>, vector<1x16xf32>,
      %swap3A_37 = vector.shape_cast %swap3A_36 : vector<1x16xf32> to vector<16xf32>
      %swap3A_38 = vector.shape_cast %broadcast_in_dim3A_33 : vector<16xf32> to vector<1x16xf32>
      tpu.vector_store %arg9[%swap3A_34, %swap3A_35], %swap3A_38 {strides = array<i32>} : memref<312x128xf32, #tpu.memory_space<vmem>>, vector<1x16xf32>,
      %broadcast_in_dim3A_39 = arith.constant 0.000000e+00 : f32
      %broadcast_in_dim3A_40 = vector.broadcast %broadcast_in_dim3A_39 : f32 to vector<16xf32>
      %swap3A_41 = arith.index_cast %scan3A_26 : i32 to index
      %swap3A_42 = arith.constant 32 : index
      %swap3A_43 = tpu.vector_load %arg9[%swap3A_41, %swap3A_42] {strides = array<i32>} : memref<312x128xf32, #tpu.memory_space<vmem>>, vector<1x16xf32>,
      %swap3A_44 = vector.shape_cast %swap3A_43 : vector<1x16xf32> to vector<16xf32>
      %swap3A_45 = vector.shape_cast %broadcast_in_dim3A_40 : vector<16xf32> to vector<1x16xf32>
      tpu.vector_store %arg9[%swap3A_41, %swap3A_42], %swap3A_45 {strides = array<i32>} : memref<312x128xf32, #tpu.memory_space<vmem>>, vector<1x16xf32>,
      %broadcast_in_dim3A_46 = arith.constant 0.000000e+00 : f32
      %broadcast_in_dim3A_47 = vector.broadcast %broadcast_in_dim3A_46 : f32 to vector<16xf32>
      %swap3A_48 = arith.index_cast %scan3A_26 : i32 to index
      %swap3A_49 = arith.constant 48 : index
      %swap3A_50 = tpu.vector_load %arg9[%swap3A_48, %swap3A_49] {strides = array<i32>} : memref<312x128xf32, #tpu.memory_space<vmem>>, vector<1x16xf32>,
      %swap3A_51 = vector.shape_cast %swap3A_50 : vector<1x16xf32> to vector<16xf32>
      %swap3A_52 = vector.shape_cast %broadcast_in_dim3A_47 : vector<16xf32> to vector<1x16xf32>
      tpu.vector_store %arg9[%swap3A_48, %swap3A_49], %swap3A_52 {strides = array<i32>} : memref<312x128xf32, #tpu.memory_space<vmem>>, vector<1x16xf32>,
      %broadcast_in_dim3A_53 = arith.constant 0.000000e+00 : f32
      %broadcast_in_dim3A_54 = vector.broadcast %broadcast_in_dim3A_53 : f32 to vector<16xf32>
      %swap3A_55 = arith.index_cast %scan3A_26 : i32 to index
      %swap3A_56 = arith.constant 64 : index
      %swap3A_57 = tpu.vector_load %arg9[%swap3A_55, %swap3A_56] {strides = array<i32>} : memref<312x128xf32, #tpu.memory_space<vmem>>, vector<1x16xf32>,
      %swap3A_58 = vector.shape_cast %swap3A_57 : vector<1x16xf32> to vector<16xf32>
      %swap3A_59 = vector.shape_cast %broadcast_in_dim3A_54 : vector<16xf32> to vector<1x16xf32>
      tpu.vector_store %arg9[%swap3A_55, %swap3A_56], %swap3A_59 {strides = array<i32>} : memref<312x128xf32, #tpu.memory_space<vmem>>, vector<1x16xf32>,
      %broadcast_in_dim3A_60 = arith.constant 0.000000e+00 : f32
      %broadcast_in_dim3A_61 = vector.broadcast %broadcast_in_dim3A_60 : f32 to vector<16xf32>
      %swap3A_62 = arith.index_cast %scan3A_26 : i32 to index
      %swap3A_63 = arith.constant 80 : index
      %swap3A_64 = tpu.vector_load %arg9[%swap3A_62, %swap3A_63] {strides = array<i32>} : memref<312x128xf32, #tpu.memory_space<vmem>>, vector<1x16xf32>,
      %swap3A_65 = vector.shape_cast %swap3A_64 : vector<1x16xf32> to vector<16xf32>
      %swap3A_66 = vector.shape_cast %broadcast_in_dim3A_61 : vector<16xf32> to vector<1x16xf32>
      tpu.vector_store %arg9[%swap3A_62, %swap3A_63], %swap3A_66 {strides = array<i32>} : memref<312x128xf32, #tpu.memory_space<vmem>>, vector<1x16xf32>,
      %broadcast_in_dim3A_67 = arith.constant 0.000000e+00 : f32
      %broadcast_in_dim3A_68 = vector.broadcast %broadcast_in_dim3A_67 : f32 to vector<16xf32>
      %swap3A_69 = arith.index_cast %scan3A_26 : i32 to index
      %swap3A_70 = arith.constant 96 : index
      %swap3A_71 = tpu.vector_load %arg9[%swap3A_69, %swap3A_70] {strides = array<i32>} : memref<312x128xf32, #tpu.memory_space<vmem>>, vector<1x16xf32>,
      %swap3A_72 = vector.shape_cast %swap3A_71 : vector<1x16xf32> to vector<16xf32>
      %swap3A_73 = vector.shape_cast %broadcast_in_dim3A_68 : vector<16xf32> to vector<1x16xf32>
      tpu.vector_store %arg9[%swap3A_69, %swap3A_70], %swap3A_73 {strides = array<i32>} : memref<312x128xf32, #tpu.memory_space<vmem>>, vector<1x16xf32>,
      %broadcast_in_dim3A_74 = arith.constant 0.000000e+00 : f32
      %broadcast_in_dim3A_75 = vector.broadcast %broadcast_in_dim3A_74 : f32 to vector<16xf32>
      %swap3A_76 = arith.index_cast %scan3A_26 : i32 to index
      %swap3A_77 = arith.constant 112 : index
      %swap3A_78 = tpu.vector_load %arg9[%swap3A_76, %swap3A_77] {strides = array<i32>} : memref<312x128xf32, #tpu.memory_space<vmem>>, vector<1x16xf32>,
      %swap3A_79 = vector.shape_cast %swap3A_78 : vector<1x16xf32> to vector<16xf32>
      %swap3A_80 = vector.shape_cast %broadcast_in_dim3A_75 : vector<16xf32> to vector<1x16xf32>
      tpu.vector_store %arg9[%swap3A_76, %swap3A_77], %swap3A_80 {strides = array<i32>} : memref<312x128xf32, #tpu.memory_space<vmem>>, vector<1x16xf32>,
    }
    %scan3A_4 = arith.constant 312 : i32
    %mul3A = arith.constant 312 : i32
    %mul3A_5 = arith.muli %arg1, %mul3A : i32
    "tpu.region"() ({
      %run_scoped3A = tpu.sem_alloc : memref<!tpu.dma_semaphore, #tpu.memory_space<semaphore_mem>>
      %dma_start3A = arith.constant 0 : i32
      %dma_start3A_26 = tpu.memref_slice %arg10[%mul3A_5, %dma_start3A] : memref<5008x128xf32, #tpu.memory_space<vmem_shared>> -> memref<312x128xf32, #tpu.memory_space<vmem_shared>>
      %dma_start3A_27 = arith.constant 0 : i32
      %dma_start3A_28 = tpu.memref_slice %arg10[%mul3A_5, %dma_start3A_27] : memref<5008x128xf32, #tpu.memory_space<vmem_shared>> -> memref<312x128xf32, #tpu.memory_space<vmem_shared>>
      tpu.enqueue_dma source(%arg9 : memref<312x128xf32, #tpu.memory_space<vmem>>) target(%dma_start3A_28 : memref<312x128xf32, #tpu.memory_space<vmem_shared>>) target_semaphore(%run_scoped3A : memref<!tpu.dma_semaphore, #tpu.memory_space<semaphore_mem>>)
      %dma_wait3A = arith.constant 0 : i32
      %dma_wait3A_29 = tpu.memref_slice %arg10[%mul3A_5, %dma_wait3A] : memref<5008x128xf32, #tpu.memory_space<vmem_shared>> -> memref<312x128xf32, #tpu.memory_space<vmem_shared>>
      %dma_wait3A_30 = arith.constant 0 : i32
      %dma_wait3A_31 = tpu.memref_slice %arg10[%mul3A_5, %dma_wait3A_30] : memref<5008x128xf32, #tpu.memory_space<vmem_shared>> -> memref<312x128xf32, #tpu.memory_space<vmem_shared>>
      tpu.wait_dma2 semaphore(%run_scoped3A : memref<!tpu.dma_semaphore, #tpu.memory_space<semaphore_mem>>) src(%arg9 : memref<312x128xf32, #tpu.memory_space<vmem>>) dst(%dma_wait3A_31 : memref<312x128xf32, #tpu.memory_space<vmem_shared>>)
      tpu.yield
    }) : () -> ()
    %eq3A = arith.constant 0 : i32
    %eq3A_6 = arith.cmpi eq, %arg1, %eq3A : i32
    %convert_element_type3A = arith.extui %eq3A_6 : i1 to i32
    %cond3A = arith.constant 0 : i32
    %cond3A_7 = arith.cmpi ne, %convert_element_type3A, %cond3A : i32
    scf.if %cond3A_7 {
      "tpu.region"() ({
        %run_scoped3A = tpu.sem_alloc : memref<!tpu.dma_semaphore, #tpu.memory_space<semaphore_mem>>
        %dma_start3A = arith.constant 0 : i32
        %dma_start3A_26 = arith.constant 0 : i32
        %dma_start3A_27 = tpu.memref_slice %arg9[%dma_start3A, %dma_start3A_26] : memref<312x128xf32, #tpu.memory_space<vmem>> -> memref<16x128xf32, #tpu.memory_space<vmem>>
        %dma_start3A_28 = arith.constant 4992 : i32
        %dma_start3A_29 = arith.constant 0 : i32
        %dma_start3A_30 = tpu.memref_slice %arg10[%dma_start3A_28, %dma_start3A_29] : memref<5008x128xf32, #tpu.memory_space<vmem_shared>> -> memref<16x128xf32, #tpu.memory_space<vmem_shared>>
        %dma_start3A_31 = arith.constant 4992 : i32
        %dma_start3A_32 = arith.constant 0 : i32
        %dma_start3A_33 = tpu.memref_slice %arg10[%dma_start3A_31, %dma_start3A_32] : memref<5008x128xf32, #tpu.memory_space<vmem_shared>> -> memref<16x128xf32, #tpu.memory_space<vmem_shared>>
        %dma_start3A_34 = arith.constant 0 : i32
        %dma_start3A_35 = arith.constant 0 : i32
        %dma_start3A_36 = tpu.memref_slice %arg9[%dma_start3A_34, %dma_start3A_35] : memref<312x128xf32, #tpu.memory_space<vmem>> -> memref<16x128xf32, #tpu.memory_space<vmem>>
        tpu.enqueue_dma source(%dma_start3A_36 : memref<16x128xf32, #tpu.memory_space<vmem>>) target(%dma_start3A_33 : memref<16x128xf32, #tpu.memory_space<vmem_shared>>) target_semaphore(%run_scoped3A : memref<!tpu.dma_semaphore, #tpu.memory_space<semaphore_mem>>)
        %dma_wait3A = arith.constant 0 : i32
        %dma_wait3A_37 = arith.constant 0 : i32
        %dma_wait3A_38 = tpu.memref_slice %arg9[%dma_wait3A, %dma_wait3A_37] : memref<312x128xf32, #tpu.memory_space<vmem>> -> memref<16x128xf32, #tpu.memory_space<vmem>>
        %dma_wait3A_39 = arith.constant 4992 : i32
        %dma_wait3A_40 = arith.constant 0 : i32
        %dma_wait3A_41 = tpu.memref_slice %arg10[%dma_wait3A_39, %dma_wait3A_40] : memref<5008x128xf32, #tpu.memory_space<vmem_shared>> -> memref<16x128xf32, #tpu.memory_space<vmem_shared>>
        %dma_wait3A_42 = arith.constant 4992 : i32
        %dma_wait3A_43 = arith.constant 0 : i32
        %dma_wait3A_44 = tpu.memref_slice %arg10[%dma_wait3A_42, %dma_wait3A_43] : memref<5008x128xf32, #tpu.memory_space<vmem_shared>> -> memref<16x128xf32, #tpu.memory_space<vmem_shared>>
        %dma_wait3A_45 = arith.constant 0 : i32
        %dma_wait3A_46 = arith.constant 0 : i32
        %dma_wait3A_47 = tpu.memref_slice %arg9[%dma_wait3A_45, %dma_wait3A_46] : memref<312x128xf32, #tpu.memory_space<vmem>> -> memref<16x128xf32, #tpu.memory_space<vmem>>
        tpu.wait_dma2 semaphore(%run_scoped3A : memref<!tpu.dma_semaphore, #tpu.memory_space<semaphore_mem>>) src(%dma_wait3A_47 : memref<16x128xf32, #tpu.memory_space<vmem>>) dst(%dma_wait3A_44 : memref<16x128xf32, #tpu.memory_space<vmem_shared>>)
        tpu.yield
      }) : () -> ()
    } else {
    }
    %barrier3A = arith.constant 0 : index
    tpu.barrier barrier_id(%barrier3A)
    %scan3A_8 = arith.constant 0 : i32
    %scan3A_9 = arith.constant 0 : i32
    %scan3A_10 = arith.constant 79 : i32
    %scan3A_11 = arith.addi %scan3A_9, %scan3A_10 : i32
    %scan3A_12 = arith.constant 1 : i32
    scf.for %scan3A_26 = %scan3A_9 to %scan3A_11 step %scan3A_12  : i32 {
      %mul3A_27 = arith.constant 16 : i32
      %mul3A_28 = arith.muli %mul3A_27, %scan3A_26 : i32
      %add3A_29 = arith.addi %arg1, %mul3A_28 : i32
      %lt3A = arith.constant 1250 : i32
      %lt3A_30 = arith.cmpi slt, %add3A_29, %lt3A : i32
      %convert_element_type3A_31 = arith.extui %lt3A_30 : i1 to i32
      %cond3A_32 = arith.constant 0 : i32
      %cond3A_33 = arith.cmpi ne, %convert_element_type3A_31, %cond3A_32 : i32
      scf.if %cond3A_33 {
        %mul3A_34 = arith.constant 128 : i32
        %mul3A_35 = arith.muli %add3A_29, %mul3A_34 : i32
        "tpu.region"() ({
          %run_scoped3A_219 = tpu.sem_alloc : memref<!tpu.dma_semaphore, #tpu.memory_space<semaphore_mem>>
          %dma_start3A_220 = tpu.memref_slice %arg2[%mul3A_35] : memref<160000xi32, #tpu.memory_space<hbm>> -> memref<128xi32, #tpu.memory_space<hbm>>
          %dma_start3A_221 = tpu.memref_slice %arg2[%mul3A_35] : memref<160000xi32, #tpu.memory_space<hbm>> -> memref<128xi32, #tpu.memory_space<hbm>>
          tpu.enqueue_dma source(%dma_start3A_221 : memref<128xi32, #tpu.memory_space<hbm>>) target(%arg6 : memref<128xi32, #tpu.memory_space<vmem>>) target_semaphore(%run_scoped3A_219 : memref<!tpu.dma_semaphore, #tpu.memory_space<semaphore_mem>>)
          %dma_wait3A_222 = tpu.memref_slice %arg2[%mul3A_35] : memref<160000xi32, #tpu.memory_space<hbm>> -> memref<128xi32, #tpu.memory_space<hbm>>
          %dma_wait3A_223 = tpu.memref_slice %arg2[%mul3A_35] : memref<160000xi32, #tpu.memory_space<hbm>> -> memref<128xi32, #tpu.memory_space<hbm>>
          tpu.wait_dma2 semaphore(%run_scoped3A_219 : memref<!tpu.dma_semaphore, #tpu.memory_space<semaphore_mem>>) src(%dma_wait3A_223 : memref<128xi32, #tpu.memory_space<hbm>>) dst(%arg6 : memref<128xi32, #tpu.memory_space<vmem>>)
          tpu.yield
        }) : () -> ()
        %run_scoped3A = arith.constant 0 : i32
        "tpu.region"() ({
          %run_scoped3A_219 = tpu.sem_alloc : memref<!tpu.dma_semaphore, #tpu.memory_space<semaphore_mem>>
          %dma_start3A_220 = arith.constant 0 : i32
          %dma_start3A_221 = tpu.memref_slice %arg7[%run_scoped3A, %dma_start3A_220] : memref<1x128xi32, #tpu.memory_space<vmem>> -> memref<1x128xi32, #tpu.memory_space<vmem>>
          %dma_start3A_222 = tpu.memref_squeeze %dma_start3A_221 : memref<1x128xi32, #tpu.memory_space<vmem>> -> memref<128xi32, #tpu.memory_space<vmem>>
          %dma_start3A_223 = tpu.memref_slice %arg3[%mul3A_35] : memref<160000xi32, #tpu.memory_space<hbm>> -> memref<128xi32, #tpu.memory_space<hbm>>
          %dma_start3A_224 = arith.constant 0 : i32
          %dma_start3A_225 = tpu.memref_slice %arg7[%run_scoped3A, %dma_start3A_224] : memref<1x128xi32, #tpu.memory_space<vmem>> -> memref<1x128xi32, #tpu.memory_space<vmem>>
          %dma_start3A_226 = tpu.memref_squeeze %dma_start3A_225 : memref<1x128xi32, #tpu.memory_space<vmem>> -> memref<128xi32, #tpu.memory_space<vmem>>
          %dma_start3A_227 = tpu.memref_slice %arg3[%mul3A_35] : memref<160000xi32, #tpu.memory_space<hbm>> -> memref<128xi32, #tpu.memory_space<hbm>>
          tpu.enqueue_dma source(%dma_start3A_227 : memref<128xi32, #tpu.memory_space<hbm>>) target(%dma_start3A_226 : memref<128xi32, #tpu.memory_space<vmem>>) target_semaphore(%run_scoped3A_219 : memref<!tpu.dma_semaphore, #tpu.memory_space<semaphore_mem>>)
          %dma_wait3A_228 = arith.constant 0 : i32
          %dma_wait3A_229 = tpu.memref_slice %arg7[%run_scoped3A, %dma_wait3A_228] : memref<1x128xi32, #tpu.memory_space<vmem>> -> memref<1x128xi32, #tpu.memory_space<vmem>>
          %dma_wait3A_230 = tpu.memref_squeeze %dma_wait3A_229 : memref<1x128xi32, #tpu.memory_space<vmem>> -> memref<128xi32, #tpu.memory_space<vmem>>
          %dma_wait3A_231 = tpu.memref_slice %arg3[%mul3A_35] : memref<160000xi32, #tpu.memory_space<hbm>> -> memref<128xi32, #tpu.memory_space<hbm>>
          %dma_wait3A_232 = arith.constant 0 : i32
          %dma_wait3A_233 = tpu.memref_slice %arg7[%run_scoped3A, %dma_wait3A_232] : memref<1x128xi32, #tpu.memory_space<vmem>> -> memref<1x128xi32, #tpu.memory_space<vmem>>
          %dma_wait3A_234 = tpu.memref_squeeze %dma_wait3A_233 : memref<1x128xi32, #tpu.memory_space<vmem>> -> memref<128xi32, #tpu.memory_space<vmem>>
          %dma_wait3A_235 = tpu.memref_slice %arg3[%mul3A_35] : memref<160000xi32, #tpu.memory_space<hbm>> -> memref<128xi32, #tpu.memory_space<hbm>>
          tpu.wait_dma2 semaphore(%run_scoped3A_219 : memref<!tpu.dma_semaphore, #tpu.memory_space<semaphore_mem>>) src(%dma_wait3A_235 : memref<128xi32, #tpu.memory_space<hbm>>) dst(%dma_wait3A_234 : memref<128xi32, #tpu.memory_space<vmem>>)
          tpu.yield
        }) : () -> ()
        %mul3A_36 = arith.constant 5000 : i32
        %mul3A_37 = arith.muli %arg0, %mul3A_36 : i32
        %get3A = arith.constant 0 : i32
        %get3A_38 = arith.index_cast %get3A : i32 to index
        %get3A_39 = arith.constant 0 : index
        %get3A_40 = tpu.vector_load %arg7[%get3A_38, %get3A_39] {strides = array<i32>} : memref<1x128xi32, #tpu.memory_space<vmem>>, vector<1x16xi32>,
        %get3A_41 = vector.shape_cast %get3A_40 : vector<1x16xi32> to vector<16xi32>
        %sub3A = vector.broadcast %mul3A_37 : i32 to vector<16xi32>
        %sub3A_42 = arith.subi %get3A_41, %sub3A : vector<16xi32>
        %ge3A = arith.constant 0 : i32
        %ge3A_43 = vector.broadcast %ge3A : i32 to vector<16xi32>
        %ge3A_44 = arith.cmpi sge, %sub3A_42, %ge3A_43 : vector<16xi32>
        %lt3A_45 = arith.constant 5000 : i32
        %lt3A_46 = vector.broadcast %lt3A_45 : i32 to vector<16xi32>
        %lt3A_47 = arith.cmpi slt, %sub3A_42, %lt3A_46 : vector<16xi32>
        %and3A = arith.andi %ge3A_44, %lt3A_47 : vector<16xi1>
        %jit3A = arith.constant 5000 : i32
        %broadcast_in_dim3A = vector.broadcast %jit3A : i32 to vector<16xi32>
        %select_n3A = arith.select %and3A, %sub3A_42, %broadcast_in_dim3A : vector<16xi1>, vector<16xi32>
        %swap3A = arith.constant 0 : i32
        %swap3A_48 = arith.index_cast %swap3A : i32 to index
        %swap3A_49 = arith.constant 0 : index
        %swap3A_50 = tpu.vector_load %arg7[%swap3A_48, %swap3A_49] {strides = array<i32>} : memref<1x128xi32, #tpu.memory_space<vmem>>, vector<1x16xi32>,
        %swap3A_51 = vector.shape_cast %swap3A_50 : vector<1x16xi32> to vector<16xi32>
        %swap3A_52 = vector.shape_cast %select_n3A : vector<16xi32> to vector<1x16xi32>
        tpu.vector_store %arg7[%swap3A_48, %swap3A_49], %swap3A_52 {strides = array<i32>} : memref<1x128xi32, #tpu.memory_space<vmem>>, vector<1x16xi32>,
        %get3A_53 = arith.constant 0 : i32
        %get3A_54 = arith.index_cast %get3A_53 : i32 to index
        %get3A_55 = arith.constant 16 : index
        %get3A_56 = tpu.vector_load %arg7[%get3A_54, %get3A_55] {strides = array<i32>} : memref<1x128xi32, #tpu.memory_space<vmem>>, vector<1x16xi32>,
        %get3A_57 = vector.shape_cast %get3A_56 : vector<1x16xi32> to vector<16xi32>
        %sub3A_58 = vector.broadcast %mul3A_37 : i32 to vector<16xi32>
        %sub3A_59 = arith.subi %get3A_57, %sub3A_58 : vector<16xi32>
        %ge3A_60 = arith.constant 0 : i32
        %ge3A_61 = vector.broadcast %ge3A_60 : i32 to vector<16xi32>
        %ge3A_62 = arith.cmpi sge, %sub3A_59, %ge3A_61 : vector<16xi32>
        %lt3A_63 = arith.constant 5000 : i32
        %lt3A_64 = vector.broadcast %lt3A_63 : i32 to vector<16xi32>
        %lt3A_65 = arith.cmpi slt, %sub3A_59, %lt3A_64 : vector<16xi32>
        %and3A_66 = arith.andi %ge3A_62, %lt3A_65 : vector<16xi1>
        %jit3A_67 = arith.constant 5000 : i32
        %broadcast_in_dim3A_68 = vector.broadcast %jit3A_67 : i32 to vector<16xi32>
        %select_n3A_69 = arith.select %and3A_66, %sub3A_59, %broadcast_in_dim3A_68 : vector<16xi1>, vector<16xi32>
        %swap3A_70 = arith.constant 0 : i32
        %swap3A_71 = arith.index_cast %swap3A_70 : i32 to index
        %swap3A_72 = arith.constant 16 : index
        %swap3A_73 = tpu.vector_load %arg7[%swap3A_71, %swap3A_72] {strides = array<i32>} : memref<1x128xi32, #tpu.memory_space<vmem>>, vector<1x16xi32>,
        %swap3A_74 = vector.shape_cast %swap3A_73 : vector<1x16xi32> to vector<16xi32>
        %swap3A_75 = vector.shape_cast %select_n3A_69 : vector<16xi32> to vector<1x16xi32>
        tpu.vector_store %arg7[%swap3A_71, %swap3A_72], %swap3A_75 {strides = array<i32>} : memref<1x128xi32, #tpu.memory_space<vmem>>, vector<1x16xi32>,
        %get3A_76 = arith.constant 0 : i32
        %get3A_77 = arith.index_cast %get3A_76 : i32 to index
        %get3A_78 = arith.constant 32 : index
        %get3A_79 = tpu.vector_load %arg7[%get3A_77, %get3A_78] {strides = array<i32>} : memref<1x128xi32, #tpu.memory_space<vmem>>, vector<1x16xi32>,
        %get3A_80 = vector.shape_cast %get3A_79 : vector<1x16xi32> to vector<16xi32>
        %sub3A_81 = vector.broadcast %mul3A_37 : i32 to vector<16xi32>
        %sub3A_82 = arith.subi %get3A_80, %sub3A_81 : vector<16xi32>
        %ge3A_83 = arith.constant 0 : i32
        %ge3A_84 = vector.broadcast %ge3A_83 : i32 to vector<16xi32>
        %ge3A_85 = arith.cmpi sge, %sub3A_82, %ge3A_84 : vector<16xi32>
        %lt3A_86 = arith.constant 5000 : i32
        %lt3A_87 = vector.broadcast %lt3A_86 : i32 to vector<16xi32>
        %lt3A_88 = arith.cmpi slt, %sub3A_82, %lt3A_87 : vector<16xi32>
        %and3A_89 = arith.andi %ge3A_85, %lt3A_88 : vector<16xi1>
        %jit3A_90 = arith.constant 5000 : i32
        %broadcast_in_dim3A_91 = vector.broadcast %jit3A_90 : i32 to vector<16xi32>
        %select_n3A_92 = arith.select %and3A_89, %sub3A_82, %broadcast_in_dim3A_91 : vector<16xi1>, vector<16xi32>
        %swap3A_93 = arith.constant 0 : i32
        %swap3A_94 = arith.index_cast %swap3A_93 : i32 to index
        %swap3A_95 = arith.constant 32 : index
        %swap3A_96 = tpu.vector_load %arg7[%swap3A_94, %swap3A_95] {strides = array<i32>} : memref<1x128xi32, #tpu.memory_space<vmem>>, vector<1x16xi32>,
        %swap3A_97 = vector.shape_cast %swap3A_96 : vector<1x16xi32> to vector<16xi32>
        %swap3A_98 = vector.shape_cast %select_n3A_92 : vector<16xi32> to vector<1x16xi32>
        tpu.vector_store %arg7[%swap3A_94, %swap3A_95], %swap3A_98 {strides = array<i32>} : memref<1x128xi32, #tpu.memory_space<vmem>>, vector<1x16xi32>,
        %get3A_99 = arith.constant 0 : i32
        %get3A_100 = arith.index_cast %get3A_99 : i32 to index
        %get3A_101 = arith.constant 48 : index
        %get3A_102 = tpu.vector_load %arg7[%get3A_100, %get3A_101] {strides = array<i32>} : memref<1x128xi32, #tpu.memory_space<vmem>>, vector<1x16xi32>,
        %get3A_103 = vector.shape_cast %get3A_102 : vector<1x16xi32> to vector<16xi32>
        %sub3A_104 = vector.broadcast %mul3A_37 : i32 to vector<16xi32>
        %sub3A_105 = arith.subi %get3A_103, %sub3A_104 : vector<16xi32>
        %ge3A_106 = arith.constant 0 : i32
        %ge3A_107 = vector.broadcast %ge3A_106 : i32 to vector<16xi32>
        %ge3A_108 = arith.cmpi sge, %sub3A_105, %ge3A_107 : vector<16xi32>
        %lt3A_109 = arith.constant 5000 : i32
        %lt3A_110 = vector.broadcast %lt3A_109 : i32 to vector<16xi32>
        %lt3A_111 = arith.cmpi slt, %sub3A_105, %lt3A_110 : vector<16xi32>
        %and3A_112 = arith.andi %ge3A_108, %lt3A_111 : vector<16xi1>
        %jit3A_113 = arith.constant 5000 : i32
        %broadcast_in_dim3A_114 = vector.broadcast %jit3A_113 : i32 to vector<16xi32>
        %select_n3A_115 = arith.select %and3A_112, %sub3A_105, %broadcast_in_dim3A_114 : vector<16xi1>, vector<16xi32>
        %swap3A_116 = arith.constant 0 : i32
        %swap3A_117 = arith.index_cast %swap3A_116 : i32 to index
        %swap3A_118 = arith.constant 48 : index
        %swap3A_119 = tpu.vector_load %arg7[%swap3A_117, %swap3A_118] {strides = array<i32>} : memref<1x128xi32, #tpu.memory_space<vmem>>, vector<1x16xi32>,
        %swap3A_120 = vector.shape_cast %swap3A_119 : vector<1x16xi32> to vector<16xi32>
        %swap3A_121 = vector.shape_cast %select_n3A_115 : vector<16xi32> to vector<1x16xi32>
        tpu.vector_store %arg7[%swap3A_117, %swap3A_118], %swap3A_121 {strides = array<i32>} : memref<1x128xi32, #tpu.memory_space<vmem>>, vector<1x16xi32>,
        %get3A_122 = arith.constant 0 : i32
        %get3A_123 = arith.index_cast %get3A_122 : i32 to index
        %get3A_124 = arith.constant 64 : index
        %get3A_125 = tpu.vector_load %arg7[%get3A_123, %get3A_124] {strides = array<i32>} : memref<1x128xi32, #tpu.memory_space<vmem>>, vector<1x16xi32>,
        %get3A_126 = vector.shape_cast %get3A_125 : vector<1x16xi32> to vector<16xi32>
        %sub3A_127 = vector.broadcast %mul3A_37 : i32 to vector<16xi32>
        %sub3A_128 = arith.subi %get3A_126, %sub3A_127 : vector<16xi32>
        %ge3A_129 = arith.constant 0 : i32
        %ge3A_130 = vector.broadcast %ge3A_129 : i32 to vector<16xi32>
        %ge3A_131 = arith.cmpi sge, %sub3A_128, %ge3A_130 : vector<16xi32>
        %lt3A_132 = arith.constant 5000 : i32
        %lt3A_133 = vector.broadcast %lt3A_132 : i32 to vector<16xi32>
        %lt3A_134 = arith.cmpi slt, %sub3A_128, %lt3A_133 : vector<16xi32>
        %and3A_135 = arith.andi %ge3A_131, %lt3A_134 : vector<16xi1>
        %jit3A_136 = arith.constant 5000 : i32
        %broadcast_in_dim3A_137 = vector.broadcast %jit3A_136 : i32 to vector<16xi32>
        %select_n3A_138 = arith.select %and3A_135, %sub3A_128, %broadcast_in_dim3A_137 : vector<16xi1>, vector<16xi32>
        %swap3A_139 = arith.constant 0 : i32
        %swap3A_140 = arith.index_cast %swap3A_139 : i32 to index
        %swap3A_141 = arith.constant 64 : index
        %swap3A_142 = tpu.vector_load %arg7[%swap3A_140, %swap3A_141] {strides = array<i32>} : memref<1x128xi32, #tpu.memory_space<vmem>>, vector<1x16xi32>,
        %swap3A_143 = vector.shape_cast %swap3A_142 : vector<1x16xi32> to vector<16xi32>
        %swap3A_144 = vector.shape_cast %select_n3A_138 : vector<16xi32> to vector<1x16xi32>
        tpu.vector_store %arg7[%swap3A_140, %swap3A_141], %swap3A_144 {strides = array<i32>} : memref<1x128xi32, #tpu.memory_space<vmem>>, vector<1x16xi32>,
        %get3A_145 = arith.constant 0 : i32
        %get3A_146 = arith.index_cast %get3A_145 : i32 to index
        %get3A_147 = arith.constant 80 : index
        %get3A_148 = tpu.vector_load %arg7[%get3A_146, %get3A_147] {strides = array<i32>} : memref<1x128xi32, #tpu.memory_space<vmem>>, vector<1x16xi32>,
        %get3A_149 = vector.shape_cast %get3A_148 : vector<1x16xi32> to vector<16xi32>
        %sub3A_150 = vector.broadcast %mul3A_37 : i32 to vector<16xi32>
        %sub3A_151 = arith.subi %get3A_149, %sub3A_150 : vector<16xi32>
        %ge3A_152 = arith.constant 0 : i32
        %ge3A_153 = vector.broadcast %ge3A_152 : i32 to vector<16xi32>
        %ge3A_154 = arith.cmpi sge, %sub3A_151, %ge3A_153 : vector<16xi32>
        %lt3A_155 = arith.constant 5000 : i32
        %lt3A_156 = vector.broadcast %lt3A_155 : i32 to vector<16xi32>
        %lt3A_157 = arith.cmpi slt, %sub3A_151, %lt3A_156 : vector<16xi32>
        %and3A_158 = arith.andi %ge3A_154, %lt3A_157 : vector<16xi1>
        %jit3A_159 = arith.constant 5000 : i32
        %broadcast_in_dim3A_160 = vector.broadcast %jit3A_159 : i32 to vector<16xi32>
        %select_n3A_161 = arith.select %and3A_158, %sub3A_151, %broadcast_in_dim3A_160 : vector<16xi1>, vector<16xi32>
        %swap3A_162 = arith.constant 0 : i32
        %swap3A_163 = arith.index_cast %swap3A_162 : i32 to index
        %swap3A_164 = arith.constant 80 : index
        %swap3A_165 = tpu.vector_load %arg7[%swap3A_163, %swap3A_164] {strides = array<i32>} : memref<1x128xi32, #tpu.memory_space<vmem>>, vector<1x16xi32>,
        %swap3A_166 = vector.shape_cast %swap3A_165 : vector<1x16xi32> to vector<16xi32>
        %swap3A_167 = vector.shape_cast %select_n3A_161 : vector<16xi32> to vector<1x16xi32>
        tpu.vector_store %arg7[%swap3A_163, %swap3A_164], %swap3A_167 {strides = array<i32>} : memref<1x128xi32, #tpu.memory_space<vmem>>, vector<1x16xi32>,
        %get3A_168 = arith.constant 0 : i32
        %get3A_169 = arith.index_cast %get3A_168 : i32 to index
        %get3A_170 = arith.constant 96 : index
        %get3A_171 = tpu.vector_load %arg7[%get3A_169, %get3A_170] {strides = array<i32>} : memref<1x128xi32, #tpu.memory_space<vmem>>, vector<1x16xi32>,
        %get3A_172 = vector.shape_cast %get3A_171 : vector<1x16xi32> to vector<16xi32>
        %sub3A_173 = vector.broadcast %mul3A_37 : i32 to vector<16xi32>
        %sub3A_174 = arith.subi %get3A_172, %sub3A_173 : vector<16xi32>
        %ge3A_175 = arith.constant 0 : i32
        %ge3A_176 = vector.broadcast %ge3A_175 : i32 to vector<16xi32>
        %ge3A_177 = arith.cmpi sge, %sub3A_174, %ge3A_176 : vector<16xi32>
        %lt3A_178 = arith.constant 5000 : i32
        %lt3A_179 = vector.broadcast %lt3A_178 : i32 to vector<16xi32>
        %lt3A_180 = arith.cmpi slt, %sub3A_174, %lt3A_179 : vector<16xi32>
        %and3A_181 = arith.andi %ge3A_177, %lt3A_180 : vector<16xi1>
        %jit3A_182 = arith.constant 5000 : i32
        %broadcast_in_dim3A_183 = vector.broadcast %jit3A_182 : i32 to vector<16xi32>
        %select_n3A_184 = arith.select %and3A_181, %sub3A_174, %broadcast_in_dim3A_183 : vector<16xi1>, vector<16xi32>
        %swap3A_185 = arith.constant 0 : i32
        %swap3A_186 = arith.index_cast %swap3A_185 : i32 to index
        %swap3A_187 = arith.constant 96 : index
        %swap3A_188 = tpu.vector_load %arg7[%swap3A_186, %swap3A_187] {strides = array<i32>} : memref<1x128xi32, #tpu.memory_space<vmem>>, vector<1x16xi32>,
        %swap3A_189 = vector.shape_cast %swap3A_188 : vector<1x16xi32> to vector<16xi32>
        %swap3A_190 = vector.shape_cast %select_n3A_184 : vector<16xi32> to vector<1x16xi32>
        tpu.vector_store %arg7[%swap3A_186, %swap3A_187], %swap3A_190 {strides = array<i32>} : memref<1x128xi32, #tpu.memory_space<vmem>>, vector<1x16xi32>,
        %get3A_191 = arith.constant 0 : i32
        %get3A_192 = arith.index_cast %get3A_191 : i32 to index
        %get3A_193 = arith.constant 112 : index
        %get3A_194 = tpu.vector_load %arg7[%get3A_192, %get3A_193] {strides = array<i32>} : memref<1x128xi32, #tpu.memory_space<vmem>>, vector<1x16xi32>,
        %get3A_195 = vector.shape_cast %get3A_194 : vector<1x16xi32> to vector<16xi32>
        %sub3A_196 = vector.broadcast %mul3A_37 : i32 to vector<16xi32>
        %sub3A_197 = arith.subi %get3A_195, %sub3A_196 : vector<16xi32>
        %ge3A_198 = arith.constant 0 : i32
        %ge3A_199 = vector.broadcast %ge3A_198 : i32 to vector<16xi32>
        %ge3A_200 = arith.cmpi sge, %sub3A_197, %ge3A_199 : vector<16xi32>
        %lt3A_201 = arith.constant 5000 : i32
        %lt3A_202 = vector.broadcast %lt3A_201 : i32 to vector<16xi32>
        %lt3A_203 = arith.cmpi slt, %sub3A_197, %lt3A_202 : vector<16xi32>
        %and3A_204 = arith.andi %ge3A_200, %lt3A_203 : vector<16xi1>
        %jit3A_205 = arith.constant 5000 : i32
        %broadcast_in_dim3A_206 = vector.broadcast %jit3A_205 : i32 to vector<16xi32>
        %select_n3A_207 = arith.select %and3A_204, %sub3A_197, %broadcast_in_dim3A_206 : vector<16xi1>, vector<16xi32>
        %swap3A_208 = arith.constant 0 : i32
        %swap3A_209 = arith.index_cast %swap3A_208 : i32 to index
        %swap3A_210 = arith.constant 112 : index
        %swap3A_211 = tpu.vector_load %arg7[%swap3A_209, %swap3A_210] {strides = array<i32>} : memref<1x128xi32, #tpu.memory_space<vmem>>, vector<1x16xi32>,
        %swap3A_212 = vector.shape_cast %swap3A_211 : vector<1x16xi32> to vector<16xi32>
        %swap3A_213 = vector.shape_cast %select_n3A_207 : vector<16xi32> to vector<1x16xi32>
        tpu.vector_store %arg7[%swap3A_209, %swap3A_210], %swap3A_213 {strides = array<i32>} : memref<1x128xi32, #tpu.memory_space<vmem>>, vector<1x16xi32>,
        %dma_start3A = arith.constant 0 : i32
        %dma_start3A_214 = arith.constant 0 : i32
        %dma_start3A_215 = tpu.memref_slice %arg4[%dma_start3A, %dma_start3A_214] : memref<10000x128xf32, #tpu.memory_space<hbm>> -> memref<10000x128xf32, #tpu.memory_space<hbm>>
        tpu.enqueue_indirect_dma source(%dma_start3A_215 : memref<10000x128xf32, #tpu.memory_space<hbm>>) target(%arg8 : memref<128x128xf32, #tpu.memory_space<vmem>>) offsets(%arg6 : memref<128xi32, #tpu.memory_space<vmem>>) semaphore(%arg11 : memref<!tpu.dma_semaphore, #tpu.memory_space<semaphore_mem>>)
        %dma_wait3A = arith.constant 0 : i32
        %dma_wait3A_216 = arith.constant 0 : i32
        %dma_wait3A_217 = tpu.memref_slice %arg4[%dma_wait3A, %dma_wait3A_216] : memref<10000x128xf32, #tpu.memory_space<hbm>> -> memref<10000x128xf32, #tpu.memory_space<hbm>>
        tpu.wait_indirect_dma semaphore(%arg11 : memref<!tpu.dma_semaphore, #tpu.memory_space<semaphore_mem>>) src(%dma_wait3A_217 : memref<10000x128xf32, #tpu.memory_space<hbm>>) dst(%arg8 : memref<128x128xf32, #tpu.memory_space<vmem>>)
        %run_scoped3A_218 = arith.constant 0 : i32
        "tpu.region"() ({
          %run_scoped3A_219 = tpu.sem_alloc : memref<!tpu.dma_semaphore, #tpu.memory_space<semaphore_mem>>
          %dma_start3A_220 = arith.constant 0 : i32
          %dma_start3A_221 = tpu.memref_slice %arg7[%run_scoped3A_218, %dma_start3A_220] : memref<1x128xi32, #tpu.memory_space<vmem>> -> memref<1x128xi32, #tpu.memory_space<vmem>>
          %dma_start3A_222 = tpu.memref_squeeze %dma_start3A_221 : memref<1x128xi32, #tpu.memory_space<vmem>> -> memref<128xi32, #tpu.memory_space<vmem>>
          %dma_start3A_223 = arith.constant 0 : i32
          %dma_start3A_224 = arith.constant 0 : i32
          %dma_start3A_225 = tpu.memref_slice %arg10[%dma_start3A_223, %dma_start3A_224] : memref<5008x128xf32, #tpu.memory_space<vmem_shared>> -> memref<5008x128xf32, #tpu.memory_space<vmem_shared>>
          tpu.enqueue_indirect_dma source(%arg8 : memref<128x128xf32, #tpu.memory_space<vmem>>) target(%dma_start3A_225 : memref<5008x128xf32, #tpu.memory_space<vmem_shared>>) offsets(%dma_start3A_222 : memref<128xi32, #tpu.memory_space<vmem>>) semaphore(%run_scoped3A_219 : memref<!tpu.dma_semaphore, #tpu.memory_space<semaphore_mem>>) {add = true}
          %dma_wait3A_226 = arith.constant 0 : i32
          %dma_wait3A_227 = tpu.memref_slice %arg7[%run_scoped3A_218, %dma_wait3A_226] : memref<1x128xi32, #tpu.memory_space<vmem>> -> memref<1x128xi32, #tpu.memory_space<vmem>>
          %dma_wait3A_228 = tpu.memref_squeeze %dma_wait3A_227 : memref<1x128xi32, #tpu.memory_space<vmem>> -> memref<128xi32, #tpu.memory_space<vmem>>
          %dma_wait3A_229 = arith.constant 0 : i32
          %dma_wait3A_230 = arith.constant 0 : i32
          %dma_wait3A_231 = tpu.memref_slice %arg10[%dma_wait3A_229, %dma_wait3A_230] : memref<5008x128xf32, #tpu.memory_space<vmem_shared>> -> memref<5008x128xf32, #tpu.memory_space<vmem_shared>>
          tpu.wait_indirect_dma semaphore(%run_scoped3A_219 : memref<!tpu.dma_semaphore, #tpu.memory_space<semaphore_mem>>) src(%arg8 : memref<128x128xf32, #tpu.memory_space<vmem>>) dst(%dma_wait3A_231 : memref<5008x128xf32, #tpu.memory_space<vmem_shared>>)
          tpu.yield
        }) : () -> ()
      } else {
      }
    }
    %scan3A_13 = arith.constant 79 : i32
    %barrier3A_14 = arith.constant 0 : index
    tpu.barrier barrier_id(%barrier3A_14)
    %mul3A_15 = arith.constant 312 : i32
    %mul3A_16 = arith.muli %arg1, %mul3A_15 : i32
    "tpu.region"() ({
      %run_scoped3A = tpu.sem_alloc : memref<!tpu.dma_semaphore, #tpu.memory_space<semaphore_mem>>
      %dma_start3A = arith.constant 0 : i32
      %dma_start3A_26 = tpu.memref_slice %arg10[%mul3A_16, %dma_start3A] : memref<5008x128xf32, #tpu.memory_space<vmem_shared>> -> memref<312x128xf32, #tpu.memory_space<vmem_shared>>
      %dma_start3A_27 = arith.constant 0 : i32
      %dma_start3A_28 = tpu.memref_slice %arg10[%mul3A_16, %dma_start3A_27] : memref<5008x128xf32, #tpu.memory_space<vmem_shared>> -> memref<312x128xf32, #tpu.memory_space<vmem_shared>>
      tpu.enqueue_dma source(%dma_start3A_28 : memref<312x128xf32, #tpu.memory_space<vmem_shared>>) target(%arg9 : memref<312x128xf32, #tpu.memory_space<vmem>>) target_semaphore(%run_scoped3A : memref<!tpu.dma_semaphore, #tpu.memory_space<semaphore_mem>>)
      %dma_wait3A = arith.constant 0 : i32
      %dma_wait3A_29 = tpu.memref_slice %arg10[%mul3A_16, %dma_wait3A] : memref<5008x128xf32, #tpu.memory_space<vmem_shared>> -> memref<312x128xf32, #tpu.memory_space<vmem_shared>>
      %dma_wait3A_30 = arith.constant 0 : i32
      %dma_wait3A_31 = tpu.memref_slice %arg10[%mul3A_16, %dma_wait3A_30] : memref<5008x128xf32, #tpu.memory_space<vmem_shared>> -> memref<312x128xf32, #tpu.memory_space<vmem_shared>>
      tpu.wait_dma2 semaphore(%run_scoped3A : memref<!tpu.dma_semaphore, #tpu.memory_space<semaphore_mem>>) src(%dma_wait3A_31 : memref<312x128xf32, #tpu.memory_space<vmem_shared>>) dst(%arg9 : memref<312x128xf32, #tpu.memory_space<vmem>>)
      tpu.yield
    }) : () -> ()
    %mul3A_17 = arith.constant 5000 : i32
    %mul3A_18 = arith.muli %arg0, %mul3A_17 : i32
    %mul3A_19 = arith.constant 312 : i32
    %mul3A_20 = arith.muli %arg1, %mul3A_19 : i32
    %add3A = arith.addi %mul3A_18, %mul3A_20 : i32
    "tpu.region"() ({
      %run_scoped3A = tpu.sem_alloc : memref<!tpu.dma_semaphore, #tpu.memory_space<semaphore_mem>>
      %dma_start3A = arith.constant 0 : i32
      %dma_start3A_26 = tpu.memref_slice %arg5[%add3A, %dma_start3A] : memref<10000x128xf32, #tpu.memory_space<hbm>> -> memref<312x128xf32, #tpu.memory_space<hbm>>
      %dma_start3A_27 = arith.constant 0 : i32
      %dma_start3A_28 = tpu.memref_slice %arg5[%add3A, %dma_start3A_27] : memref<10000x128xf32, #tpu.memory_space<hbm>> -> memref<312x128xf32, #tpu.memory_space<hbm>>
      tpu.enqueue_dma source(%arg9 : memref<312x128xf32, #tpu.memory_space<vmem>>) target(%dma_start3A_28 : memref<312x128xf32, #tpu.memory_space<hbm>>) target_semaphore(%run_scoped3A : memref<!tpu.dma_semaphore, #tpu.memory_space<semaphore_mem>>)
      %dma_wait3A = arith.constant 0 : i32
      %dma_wait3A_29 = tpu.memref_slice %arg5[%add3A, %dma_wait3A] : memref<10000x128xf32, #tpu.memory_space<hbm>> -> memref<312x128xf32, #tpu.memory_space<hbm>>
      %dma_wait3A_30 = arith.constant 0 : i32
      %dma_wait3A_31 = tpu.memref_slice %arg5[%add3A, %dma_wait3A_30] : memref<10000x128xf32, #tpu.memory_space<hbm>> -> memref<312x128xf32, #tpu.memory_space<hbm>>
      tpu.wait_dma2 semaphore(%run_scoped3A : memref<!tpu.dma_semaphore, #tpu.memory_space<semaphore_mem>>) src(%arg9 : memref<312x128xf32, #tpu.memory_space<vmem>>) dst(%dma_wait3A_31 : memref<312x128xf32, #tpu.memory_space<hbm>>)
      tpu.yield
    }) : () -> ()
    %eq3A_21 = arith.constant 0 : i32
    %eq3A_22 = arith.cmpi eq, %arg1, %eq3A_21 : i32
    %convert_element_type3A_23 = arith.extui %eq3A_22 : i1 to i32
    %cond3A_24 = arith.constant 0 : i32
    %cond3A_25 = arith.cmpi ne, %convert_element_type3A_23, %cond3A_24 : i32
    scf.if %cond3A_25 {
      "tpu.region"() ({
        %run_scoped3A = tpu.sem_alloc : memref<!tpu.dma_semaphore, #tpu.memory_space<semaphore_mem>>
        %dma_start3A = arith.constant 0 : i32
        %dma_start3A_30 = arith.constant 0 : i32
        %dma_start3A_31 = tpu.memref_slice %arg9[%dma_start3A, %dma_start3A_30] : memref<312x128xf32, #tpu.memory_space<vmem>> -> memref<8x128xf32, #tpu.memory_space<vmem>>
        %dma_start3A_32 = arith.constant 4992 : i32
        %dma_start3A_33 = arith.constant 0 : i32
        %dma_start3A_34 = tpu.memref_slice %arg10[%dma_start3A_32, %dma_start3A_33] : memref<5008x128xf32, #tpu.memory_space<vmem_shared>> -> memref<8x128xf32, #tpu.memory_space<vmem_shared>>
        %dma_start3A_35 = arith.constant 0 : i32
        %dma_start3A_36 = arith.constant 0 : i32
        %dma_start3A_37 = tpu.memref_slice %arg9[%dma_start3A_35, %dma_start3A_36] : memref<312x128xf32, #tpu.memory_space<vmem>> -> memref<8x128xf32, #tpu.memory_space<vmem>>
        %dma_start3A_38 = arith.constant 4992 : i32
        %dma_start3A_39 = arith.constant 0 : i32
        %dma_start3A_40 = tpu.memref_slice %arg10[%dma_start3A_38, %dma_start3A_39] : memref<5008x128xf32, #tpu.memory_space<vmem_shared>> -> memref<8x128xf32, #tpu.memory_space<vmem_shared>>
        tpu.enqueue_dma source(%dma_start3A_40 : memref<8x128xf32, #tpu.memory_space<vmem_shared>>) target(%dma_start3A_37 : memref<8x128xf32, #tpu.memory_space<vmem>>) target_semaphore(%run_scoped3A : memref<!tpu.dma_semaphore, #tpu.memory_space<semaphore_mem>>)
        %dma_wait3A = arith.constant 0 : i32
        %dma_wait3A_41 = arith.constant 0 : i32
        %dma_wait3A_42 = tpu.memref_slice %arg9[%dma_wait3A, %dma_wait3A_41] : memref<312x128xf32, #tpu.memory_space<vmem>> -> memref<8x128xf32, #tpu.memory_space<vmem>>
        %dma_wait3A_43 = arith.constant 4992 : i32
        %dma_wait3A_44 = arith.constant 0 : i32
        %dma_wait3A_45 = tpu.memref_slice %arg10[%dma_wait3A_43, %dma_wait3A_44] : memref<5008x128xf32, #tpu.memory_space<vmem_shared>> -> memref<8x128xf32, #tpu.memory_space<vmem_shared>>
        %dma_wait3A_46 = arith.constant 0 : i32
        %dma_wait3A_47 = arith.constant 0 : i32
        %dma_wait3A_48 = tpu.memref_slice %arg9[%dma_wait3A_46, %dma_wait3A_47] : memref<312x128xf32, #tpu.memory_space<vmem>> -> memref<8x128xf32, #tpu.memory_space<vmem>>
        %dma_wait3A_49 = arith.constant 4992 : i32
        %dma_wait3A_50 = arith.constant 0 : i32
        %dma_wait3A_51 = tpu.memref_slice %arg10[%dma_wait3A_49, %dma_wait3A_50] : memref<5008x128xf32, #tpu.memory_space<vmem_shared>> -> memref<8x128xf32, #tpu.memory_space<vmem_shared>>
        tpu.wait_dma2 semaphore(%run_scoped3A : memref<!tpu.dma_semaphore, #tpu.memory_space<semaphore_mem>>) src(%dma_wait3A_51 : memref<8x128xf32, #tpu.memory_space<vmem_shared>>) dst(%dma_wait3A_48 : memref<8x128xf32, #tpu.memory_space<vmem>>)
        tpu.yield
      }) : () -> ()
      %mul3A_26 = arith.constant 5000 : i32
      %mul3A_27 = arith.muli %arg0, %mul3A_26 : i32
      %add3A_28 = arith.constant 4992 : i32
      %add3A_29 = arith.addi %mul3A_27, %add3A_28 : i32
      "tpu.region"() ({
        %run_scoped3A = tpu.sem_alloc : memref<!tpu.dma_semaphore, #tpu.memory_space<semaphore_mem>>
        %dma_start3A = arith.constant 0 : i32
        %dma_start3A_30 = arith.constant 0 : i32
        %dma_start3A_31 = tpu.memref_slice %arg9[%dma_start3A, %dma_start3A_30] : memref<312x128xf32, #tpu.memory_space<vmem>> -> memref<8x128xf32, #tpu.memory_space<vmem>>
        %dma_start3A_32 = arith.constant 0 : i32
        %dma_start3A_33 = tpu.memref_slice %arg5[%add3A_29, %dma_start3A_32] : memref<10000x128xf32, #tpu.memory_space<hbm>> -> memref<8x128xf32, #tpu.memory_space<hbm>>
        %dma_start3A_34 = arith.constant 0 : i32
        %dma_start3A_35 = tpu.memref_slice %arg5[%add3A_29, %dma_start3A_34] : memref<10000x128xf32, #tpu.memory_space<hbm>> -> memref<8x128xf32, #tpu.memory_space<hbm>>
        %dma_start3A_36 = arith.constant 0 : i32
        %dma_start3A_37 = arith.constant 0 : i32
        %dma_start3A_38 = tpu.memref_slice %arg9[%dma_start3A_36, %dma_start3A_37] : memref<312x128xf32, #tpu.memory_space<vmem>> -> memref<8x128xf32, #tpu.memory_space<vmem>>
        tpu.enqueue_dma source(%dma_start3A_38 : memref<8x128xf32, #tpu.memory_space<vmem>>) target(%dma_start3A_35 : memref<8x128xf32, #tpu.memory_space<hbm>>) target_semaphore(%run_scoped3A : memref<!tpu.dma_semaphore, #tpu.memory_space<semaphore_mem>>)
        %dma_wait3A = arith.constant 0 : i32
        %dma_wait3A_39 = arith.constant 0 : i32
        %dma_wait3A_40 = tpu.memref_slice %arg9[%dma_wait3A, %dma_wait3A_39] : memref<312x128xf32, #tpu.memory_space<vmem>> -> memref<8x128xf32, #tpu.memory_space<vmem>>
        %dma_wait3A_41 = arith.constant 0 : i32
        %dma_wait3A_42 = tpu.memref_slice %arg5[%add3A_29, %dma_wait3A_41] : memref<10000x128xf32, #tpu.memory_space<hbm>> -> memref<8x128xf32, #tpu.memory_space<hbm>>
        %dma_wait3A_43 = arith.constant 0 : i32
        %dma_wait3A_44 = tpu.memref_slice %arg5[%add3A_29, %dma_wait3A_43] : memref<10000x128xf32, #tpu.memory_space<hbm>> -> memref<8x128xf32, #tpu.memory_space<hbm>>
        %dma_wait3A_45 = arith.constant 0 : i32
        %dma_wait3A_46 = arith.constant 0 : i32
        %dma_wait3A_47 = tpu.memref_slice %arg9[%dma_wait3A_45, %dma_wait3A_46] : memref<312x128xf32, #tpu.memory_space<vmem>> -> memref<8x128xf32, #tpu.memory_space<vmem>>
        tpu.wait_dma2 semaphore(%run_scoped3A : memref<!tpu.dma_semaphore, #tpu.memory_space<semaphore_mem>>) src(%dma_wait3A_47 : memref<8x128xf32, #tpu.memory_space<vmem>>) dst(%dma_wait3A_44 : memref<8x128xf32, #tpu.memory_space<hbm>>)
        tpu.yield
      }) : () -> ()
    } else {
    }
    return
  }
}

module attributes {stable_mosaic.version = 14 : i64} {
  func.func @_prep_kernel(%arg0: i32, %arg1: memref<2000x128xf32, #tpu.memory_space<vmem>>, %arg2: memref<128x128xf32, #tpu.memory_space<vmem>>, %arg3: memref<128x128xf32, #tpu.memory_space<vmem>>, %arg4: memref<2000x16xf32, #tpu.memory_space<vmem>>, %arg5: memref<2000x128xf32, #tpu.memory_space<vmem>>, %arg6: memref<2000x128xf32, #tpu.memory_space<vmem>>) attributes {dimension_semantics = [#tpu.dimension_semantics<arbitrary>], iteration_bounds = array<i64: 5>, scalar_prefetch = 0 : i64, scratch_operands = 0 : i64, tpu.core_type = #tpu.core_type<tc>, window_params = [{transform_indices = @transform_0, window_bounds = array<i64: 2000, 128>}, {pipeline_mode = #tpu.pipeline_mode<synchronous>, transform_indices = @transform_1, window_bounds = array<i64: 128, 128>}, {pipeline_mode = #tpu.pipeline_mode<synchronous>, transform_indices = @transform_2, window_bounds = array<i64: 128, 128>}, {transform_indices = @transform_3, window_bounds = array<i64: 2000, 16>}, {transform_indices = @transform_4, window_bounds = array<i64: 2000, 128>}, {transform_indices = @transform_5, window_bounds = array<i64: 2000, 128>}]} {
    %get3A = arith.constant 0 : index
    %get3A_0 = arith.constant 0 : index
    %get3A_1 = vector.load %arg4[%get3A, %get3A_0] : memref<2000x16xf32, #tpu.memory_space<vmem>>, vector<2000x1xf32>
    %get3A_2 = vector.shape_cast %get3A_1 : vector<2000x1xf32> to vector<2000xf32>
    %add3A = arith.constant 1.000000e+00 : f32
    %add3A_3 = vector.broadcast %add3A : f32 to vector<2000xf32>
    %add3A_4 = arith.addf %get3A_2, %add3A_3 : vector<2000xf32>
    %rsqrt3A = math.rsqrt %add3A_4 : vector<2000xf32>
    %get3A_5 = arith.constant 0 : index
    %get3A_6 = arith.constant 0 : index
    %get3A_7 = vector.load %arg1[%get3A_5, %get3A_6] : memref<2000x128xf32, #tpu.memory_space<vmem>>, vector<2000x128xf32>
    %get3A_8 = arith.constant 0 : index
    %get3A_9 = arith.constant 0 : index
    %get3A_10 = vector.load %arg2[%get3A_8, %get3A_9] : memref<128x128xf32, #tpu.memory_space<vmem>>, vector<128x128xf32>
    %dot_general3A = arith.constant dense<0.000000e+00> : vector<2000x128xf32>
    %dot_general3A_11 = tpu.matmul %get3A_7, %get3A_10, %dot_general3A {dimension_numbers = #tpu.dot_dimension_numbers<[1], [1], [0], [0], [0, 0, 1, 0], [], []>, transpose_lhs_hint = false} : vector<2000x128xf32>, vector<128x128xf32>, vector<2000x128xf32> -> vector<2000x128xf32>
    %broadcast_in_dim3A = vector.shape_cast %rsqrt3A : vector<2000xf32> to vector<2000x1xf32>
    %mul3A = vector.broadcast %broadcast_in_dim3A : vector<2000x1xf32> to vector<2000x128xf32>
    %mul3A_12 = arith.mulf %dot_general3A_11, %mul3A : vector<2000x128xf32>
    %swap3A = arith.constant 0 : index
    %swap3A_13 = arith.constant 0 : index
    %swap3A_14 = vector.load %arg5[%swap3A, %swap3A_13] : memref<2000x128xf32, #tpu.memory_space<vmem>>, vector<2000x128xf32>
    tpu.vector_store %arg5[%swap3A, %swap3A_13], %mul3A_12 {strides = array<i32>} : memref<2000x128xf32, #tpu.memory_space<vmem>>, vector<2000x128xf32>,
    %get3A_15 = arith.constant 0 : index
    %get3A_16 = arith.constant 0 : index
    %get3A_17 = vector.load %arg3[%get3A_15, %get3A_16] : memref<128x128xf32, #tpu.memory_space<vmem>>, vector<128x128xf32>
    %dot_general3A_18 = arith.constant dense<0.000000e+00> : vector<2000x128xf32>
    %dot_general3A_19 = tpu.matmul %get3A_7, %get3A_17, %dot_general3A_18 {dimension_numbers = #tpu.dot_dimension_numbers<[1], [1], [0], [0], [0, 0, 1, 0], [], []>, transpose_lhs_hint = false} : vector<2000x128xf32>, vector<128x128xf32>, vector<2000x128xf32> -> vector<2000x128xf32>
    %max3A = arith.constant 0.000000e+00 : f32
    %max3A_20 = vector.broadcast %max3A : f32 to vector<2000x128xf32>
    %max3A_21 = arith.maximumf %dot_general3A_19, %max3A_20 : vector<2000x128xf32>
    %swap3A_22 = arith.constant 0 : index
    %swap3A_23 = arith.constant 0 : index
    %swap3A_24 = vector.load %arg6[%swap3A_22, %swap3A_23] : memref<2000x128xf32, #tpu.memory_space<vmem>>, vector<2000x128xf32>
    tpu.vector_store %arg6[%swap3A_22, %swap3A_23], %max3A_21 {strides = array<i32>} : memref<2000x128xf32, #tpu.memory_space<vmem>>, vector<2000x128xf32>,
    return
  }
  func.func @transform_0(%arg0: i32) -> (i32, i32) {
    %c0_i32 = arith.constant 0 : i32
    %c0_i32_0 = arith.constant 0 : i32
    return %arg0, %c0_i32 : i32, i32
  }
  func.func @transform_1(%arg0: i32) -> (i32, i32) {
    %c0_i32 = arith.constant 0 : i32
    %c0_i32_0 = arith.constant 0 : i32
    %c0_i32_1 = arith.constant 0 : i32
    return %c0_i32, %c0_i32_0 : i32, i32
  }
  func.func @transform_2(%arg0: i32) -> (i32, i32) {
    %c0_i32 = arith.constant 0 : i32
    %c0_i32_0 = arith.constant 0 : i32
    %c0_i32_1 = arith.constant 0 : i32
    return %c0_i32, %c0_i32_0 : i32, i32
  }
  func.func @transform_3(%arg0: i32) -> (i32, i32) {
    %c0_i32 = arith.constant 0 : i32
    %c0_i32_0 = arith.constant 0 : i32
    return %arg0, %c0_i32 : i32, i32
  }
  func.func @transform_4(%arg0: i32) -> (i32, i32) {
    %c0_i32 = arith.constant 0 : i32
    %c0_i32_0 = arith.constant 0 : i32
    return %arg0, %c0_i32 : i32, i32
  }
  func.func @transform_5(%arg0: i32) -> (i32, i32) {
    %c0_i32 = arith.constant 0 : i32
    %c0_i32_0 = arith.constant 0 : i32
    return %arg0, %c0_i32 : i32, i32
  }
}

module attributes {stable_mosaic.version = 14 : i64} {
  func.func @_mm_kernel(%arg0: i32, %arg1: memref<400x10000xf32, #tpu.memory_space<vmem>>, %arg2: memref<10000x128xf32, #tpu.memory_space<vmem>>, %arg3: memref<400x128xf32, #tpu.memory_space<vmem>>) attributes {dimension_semantics = [#tpu.dimension_semantics<arbitrary>], iteration_bounds = array<i64: 25>, scalar_prefetch = 0 : i64, scratch_operands = 0 : i64, tpu.core_type = #tpu.core_type<tc>, window_params = [{transform_indices = @transform_0, window_bounds = array<i64: 400, 10000>}, {pipeline_mode = #tpu.pipeline_mode<synchronous>, transform_indices = @transform_1, window_bounds = array<i64: 10000, 128>}, {transform_indices = @transform_2, window_bounds = array<i64: 400, 128>}]} {
    %get3A = arith.constant 0 : index
    %get3A_0 = arith.constant 0 : index
    %get3A_1 = vector.load %arg1[%get3A, %get3A_0] : memref<400x10000xf32, #tpu.memory_space<vmem>>, vector<400x10000xf32>
    %get3A_2 = arith.constant 0 : index
    %get3A_3 = arith.constant 0 : index
    %get3A_4 = vector.load %arg2[%get3A_2, %get3A_3] : memref<10000x128xf32, #tpu.memory_space<vmem>>, vector<10000x128xf32>
    %dot_general3A = arith.constant dense<0.000000e+00> : vector<400x128xf32>
    %dot_general3A_5 = tpu.matmul %get3A_1, %get3A_4, %dot_general3A {dimension_numbers = #tpu.dot_dimension_numbers<[1], [0], [0], [1], [0, 0, 1, 1], [], []>, transpose_lhs_hint = false} : vector<400x10000xf32>, vector<10000x128xf32>, vector<400x128xf32> -> vector<400x128xf32>
    %swap3A = arith.constant 0 : index
    %swap3A_6 = arith.constant 0 : index
    %swap3A_7 = vector.load %arg3[%swap3A, %swap3A_6] : memref<400x128xf32, #tpu.memory_space<vmem>>, vector<400x128xf32>
    tpu.vector_store %arg3[%swap3A, %swap3A_6], %dot_general3A_5 {strides = array<i32>} : memref<400x128xf32, #tpu.memory_space<vmem>>, vector<400x128xf32>,
    return
  }
  func.func @transform_0(%arg0: i32) -> (i32, i32) {
    %c0_i32 = arith.constant 0 : i32
    %c0_i32_0 = arith.constant 0 : i32
    return %arg0, %c0_i32 : i32, i32
  }
  func.func @transform_1(%arg0: i32) -> (i32, i32) {
    %c0_i32 = arith.constant 0 : i32
    %c0_i32_0 = arith.constant 0 : i32
    %c0_i32_1 = arith.constant 0 : i32
    return %c0_i32, %c0_i32_0 : i32, i32
  }
  func.func @transform_2(%arg0: i32) -> (i32, i32) {
    %c0_i32 = arith.constant 0 : i32
    %c0_i32_0 = arith.constant 0 : i32
    return %arg0, %c0_i32 : i32, i32
  }
}

module attributes {stable_mosaic.version = 14 : i64} {
  func.func @_combine_kernel(%arg0: i32, %arg1: memref<2000x128xf32, #tpu.memory_space<vmem>>, %arg2: memref<2000x128xf32, #tpu.memory_space<vmem>>, %arg3: memref<2000x128xf32, #tpu.memory_space<vmem>>, %arg4: memref<2000x16xf32, #tpu.memory_space<vmem>>, %arg5: memref<1x128xf32, #tpu.memory_space<vmem>>, %arg6: memref<1x2xf32, #tpu.memory_space<vmem>>, %arg7: memref<2000x128xf32, #tpu.memory_space<vmem>>) attributes {dimension_semantics = [#tpu.dimension_semantics<arbitrary>], iteration_bounds = array<i64: 5>, scalar_prefetch = 0 : i64, scratch_operands = 0 : i64, tpu.core_type = #tpu.core_type<tc>, window_params = [{transform_indices = @transform_0, window_bounds = array<i64: 2000, 128>}, {transform_indices = @transform_1, window_bounds = array<i64: 2000, 128>}, {transform_indices = @transform_2, window_bounds = array<i64: 2000, 128>}, {transform_indices = @transform_3, window_bounds = array<i64: 2000, 16>}, {pipeline_mode = #tpu.pipeline_mode<synchronous>, transform_indices = @transform_4, window_bounds = array<i64: 1, 128>}, {pipeline_mode = #tpu.pipeline_mode<synchronous>, transform_indices = @transform_5, window_bounds = array<i64: 1, 2>}, {transform_indices = @transform_6, window_bounds = array<i64: 2000, 128>}]} {
    %get3A = arith.constant 0 : index
    %get3A_0 = arith.constant 0 : index
    %get3A_1 = vector.load %arg4[%get3A, %get3A_0] : memref<2000x16xf32, #tpu.memory_space<vmem>>, vector<2000x1xf32>
    %get3A_2 = vector.shape_cast %get3A_1 : vector<2000x1xf32> to vector<2000xf32>
    %add3A = arith.constant 1.000000e+00 : f32
    %add3A_3 = vector.broadcast %add3A : f32 to vector<2000xf32>
    %add3A_4 = arith.addf %get3A_2, %add3A_3 : vector<2000xf32>
    %rsqrt3A = math.rsqrt %add3A_4 : vector<2000xf32>
    %get3A_5 = arith.constant 0 : index
    %get3A_6 = arith.constant 0 : index
    %get3A_7 = vector.load %arg2[%get3A_5, %get3A_6] : memref<2000x128xf32, #tpu.memory_space<vmem>>, vector<2000x128xf32>
    %get3A_8 = arith.constant 0 : index
    %get3A_9 = arith.constant 0 : index
    %get3A_10 = vector.load %arg3[%get3A_8, %get3A_9] : memref<2000x128xf32, #tpu.memory_space<vmem>>, vector<2000x128xf32>
    %add3A_11 = arith.addf %get3A_7, %get3A_10 : vector<2000x128xf32>
    %broadcast_in_dim3A = vector.shape_cast %rsqrt3A : vector<2000xf32> to vector<2000x1xf32>
    %mul3A = vector.broadcast %broadcast_in_dim3A : vector<2000x1xf32> to vector<2000x128xf32>
    %mul3A_12 = arith.mulf %add3A_11, %mul3A : vector<2000x128xf32>
    %get3A_13 = arith.constant 0 : index
    %get3A_14 = arith.constant 0 : index
    %get3A_15 = vector.load %arg5[%get3A_13, %get3A_14] : memref<1x128xf32, #tpu.memory_space<vmem>>, vector<1x128xf32>
    %add3A_16 = vector.broadcast %get3A_15 : vector<1x128xf32> to vector<2000x128xf32>
    %add3A_17 = arith.addf %mul3A_12, %add3A_16 : vector<2000x128xf32>
    %max3A = arith.constant 0.000000e+00 : f32
    %max3A_18 = vector.broadcast %max3A : f32 to vector<2000x128xf32>
    %max3A_19 = arith.maximumf %add3A_17, %max3A_18 : vector<2000x128xf32>
    %get3A_20 = arith.constant 0 : index
    %get3A_21 = arith.constant 0 : index
    %get3A_22 = vector.load %arg6[%get3A_20, %get3A_21] : memref<1x2xf32, #tpu.memory_space<vmem>>, vector<1x1xf32>
    %get3A_23 = vector.extract %get3A_22[0, 0] : f32 from vector<1x1xf32>
    %mul3A_24 = vector.broadcast %get3A_23 : f32 to vector<2000x128xf32>
    %mul3A_25 = arith.mulf %mul3A_24, %max3A_19 : vector<2000x128xf32>
    %get3A_26 = arith.constant 0 : index
    %get3A_27 = arith.constant 1 : index
    %get3A_28 = vector.load %arg6[%get3A_26, %get3A_27] : memref<1x2xf32, #tpu.memory_space<vmem>>, vector<1x1xf32>
    %get3A_29 = vector.extract %get3A_28[0, 0] : f32 from vector<1x1xf32>
    %get3A_30 = arith.constant 0 : index
    %get3A_31 = arith.constant 0 : index
    %get3A_32 = vector.load %arg1[%get3A_30, %get3A_31] : memref<2000x128xf32, #tpu.memory_space<vmem>>, vector<2000x128xf32>
    %mul3A_33 = vector.broadcast %get3A_29 : f32 to vector<2000x128xf32>
    %mul3A_34 = arith.mulf %mul3A_33, %get3A_32 : vector<2000x128xf32>
    %add3A_35 = arith.addf %mul3A_25, %mul3A_34 : vector<2000x128xf32>
    %swap3A = arith.constant 0 : index
    %swap3A_36 = arith.constant 0 : index
    %swap3A_37 = vector.load %arg7[%swap3A, %swap3A_36] : memref<2000x128xf32, #tpu.memory_space<vmem>>, vector<2000x128xf32>
    tpu.vector_store %arg7[%swap3A, %swap3A_36], %add3A_35 {strides = array<i32>} : memref<2000x128xf32, #tpu.memory_space<vmem>>, vector<2000x128xf32>,
    return
  }
  func.func @transform_0(%arg0: i32) -> (i32, i32) {
    %c0_i32 = arith.constant 0 : i32
    %c0_i32_0 = arith.constant 0 : i32
    return %arg0, %c0_i32 : i32, i32
  }
  func.func @transform_1(%arg0: i32) -> (i32, i32) {
    %c0_i32 = arith.constant 0 : i32
    %c0_i32_0 = arith.constant 0 : i32
    return %arg0, %c0_i32 : i32, i32
  }
  func.func @transform_2(%arg0: i32) -> (i32, i32) {
    %c0_i32 = arith.constant 0 : i32
    %c0_i32_0 = arith.constant 0 : i32
    return %arg0, %c0_i32 : i32, i32
  }
  func.func @transform_3(%arg0: i32) -> (i32, i32) {
    %c0_i32 = arith.constant 0 : i32
    %c0_i32_0 = arith.constant 0 : i32
    return %arg0, %c0_i32 : i32, i32
  }
  func.func @transform_4(%arg0: i32) -> (i32, i32) {
    %c0_i32 = arith.constant 0 : i32
    %c0_i32_0 = arith.constant 0 : i32
    %c0_i32_1 = arith.constant 0 : i32
    return %c0_i32, %c0_i32_0 : i32, i32
  }
  func.func @transform_5(%arg0: i32) -> (i32, i32) {
    %c0_i32 = arith.constant 0 : i32
    %c0_i32_0 = arith.constant 0 : i32
    %c0_i32_1 = arith.constant 0 : i32
    return %c0_i32, %c0_i32_0 : i32, i32
  }
  func.func @transform_6(%arg0: i32) -> (i32, i32) {
    %c0_i32 = arith.constant 0 : i32
    %c0_i32_0 = arith.constant 0 : i32
    return %arg0, %c0_i32 : i32, i32
  }
}

</mosaic_0001>

<sc_bundles>
// kernel: kernel.12.cloned.1.call-start
scs
__scs_entry_jumppad:
0x0: {  	(pc) =	sbr.rel $0x88, $3  }
0x1: {  	(tag) =	ssettag $0x0;
	lr =	simm.s32 $0x1  }
0x2: {  	[smem:$0x3F98] =	sst lr;
	_ =	strace $0xD0000000  }
0x3: {  	_ = 	snop  }
0x4: {  	_ = 	snop  }
0x5: {  	_ = 	snop  }
0x6: {  	_ = 	snop  }
0x7: {  	_ = 	snop  }
__scs_overlays_trampoline_lowered:
0x8: {  	[smem:$0x3FA7] =	sst s0  }
0x9: {  	[smem:$0x3FA8] =	sst s1  }
0xa: {  	[smem:$0x3FA9] =	sst s2  }
0xb: {  	[smem:$0x3FAA] =	sst s3  }
0xc: {  	[smem:$0x3FAB] =	sst s4  }
0xd: {  	[smem:$0x3FAC] =	sst s5  }
0xe: {  	[smem:$0x3FAD] =	sst s6  }
0xf: {  	[smem:$0x3FAE] =	sst s7  }
0x10: {  	[smem:$0x3FAF] =	sst s8  }
0x11: {  	[smem:$0x3FB0] =	sst s9;
	s0 =	simm.s32 @!p0 $0x0  }
0x12: {  	s1 =	sld [smem:$0x3F96];
	s0 =	simm.s32 @p0 $0x1  }
0x13: {  	[smem:$0x3FB1] =	sst s0;
	s0 =	simm.s32 @!p1 $0x0  }
0x14: {  	s2 =	sld [smem:$0x3F95];
	s0 =	simm.s32 @p1 $0x1  }
0x15: {  	[smem:$0x3FB2] =	sst s0;
	s0 =	simm.s32 @!p2 $0x0  }
0x16: {  	s3 =	sld [smem:$0x3FDB];
	s0 =	simm.s32 @p2 $0x1  }
0x17: {  	s4 =	simm.s32 $0x1BF5;
	[smem:$0x3FB4] =	sst s0  }
0x18: {  	s0 =	sld [smem:$0x3F97];
	_ =	swait.ge [sflag:s4], $0x0  }
0x19: {  	s7 =	sld [smem:$0x3F98]  }
0x1a: {  	s8 =	sadd.s32 $0xFFFFE003, lr  }
0x1b: {  	s9 =	sadd.s32 $0xFFFFFEF7, lr;
	s5 =	simm.s32 $0xFFFFFFFF;
	p2 =	slt.u32 s8, $0xFFFFF086  }
0x1c: {  	p1 =	slt.u32 s9, $0xF7A;
	s5 =	simm.s32 @!p2 $0x0  }
0x1d: {  	s5 =	simm.s32 @p1 $0x1;
	p0 =	seq.s32 s7, s2  }
0x1e: {  	s7 =	smul.u32 @!p0 $0xF7A, s2;
	p2 =	seq.s32 @!p0 s5, $0x0  }
0x1f: {  	s9 =	smul.u32 $0xF7A, s1;
	s8 =	simm.s32 @!p0 $0x1BF5;
	p2 =	por !p2, p0  }
0x20: {  	[sflag:s8] =	ssyncset.s32 @!p0 $0xFFFFF086;
	s6 =	sadd.s32 @!p0 s3, s7;
	s7 =	simm.s32 @!p0 $0x108  }
0x21: {  	s3 =	sadd.s32 s3, s9;
	s6 =	sadd.s32 @!p0 $0x88, s6;
	s7 =	simm.s32 @p2 $0x1082  }
0x22: {  	[simem:s7], [sflag:s8] =	dma.local @!p0 [hbm:s6], $0xF7A  }
0x23: {  	s9 =	sor.u32 $0xD0000000, s2;
	s6 =	simm.s32 $0x108;
	_ =	swait.ge @!p0 [sflag:s8], $0x0  }
0x24: {  	s3 =	sadd.s32 $0x88, s3;
	s6 =	simm.s32 @!p1 $0x1082;
	[sflag:s4] =	ssyncset.s32 $0xFFFFF086  }
0x25: {  	[simem:s6], [sflag:s4] =	dma.local [hbm:s3], $0xF7A  }
0x26: {  	[smem:$0x3F98] =	sst s1;
	(tag) =	ssettag s2;
	_ =	strace s9  }
0x27: {  	s1 =	sld [smem:$0x3FA8]  }
0x28: {  	s2 =	sld [smem:$0x3FA9]  }
0x29: {  	s4 =	sld [smem:$0x3FAB]  }
0x2a: {  	p0 =	seq.s32 s5, $0x0;
	s5 =	sld [smem:$0x3FAC]  }
0x2b: {  	s6 =	sld [smem:$0x3FAD]  }
0x2c: {  	s7 =	sld [smem:$0x3FAE]  }
0x2d: {  	s3 =	simm.s32 $0x108;
	s8 =	sld [smem:$0x3FAF]  }
0x2e: {  	s3 =	simm.s32 @!p0 $0x1082;
	s9 =	sld [smem:$0x3FB0]  }
0x2f: {  	lr =	sadd.s32 s0, s3;
	s0 =	sld [smem:$0x3FA7]  }
0x30: {  	s3 =	sld [smem:$0x3FAA]  }
0x31: {  	[smem:$0x3FB3] =	sst s10  }
0x32: {  	s10 =	sld [smem:$0x3FB1];
	_ =	sdelay $0x3  }
0x33: {  	p0 =	seq.s32 s10, $0x1;
	s10 =	sld [smem:$0x3FB3];
	_ =	sdelay $0x3  }
0x34: {  	[smem:$0x3FB3] =	sst s10  }
0x35: {  	s10 =	sld [smem:$0x3FB2];
	_ =	sdelay $0x3  }
0x36: {  	p1 =	seq.s32 s10, $0x1;
	s10 =	sld [smem:$0x3FB3];
	_ =	sdelay $0x3  }
0x37: {  	[smem:$0x3FB3] =	sst s10  }
0x38: {  	s10 =	sld [smem:$0x3FB4]  }
0x39: {  	_ = 	snop;
	(pc) =	sbr.ind lr, $3  }
0x3a: {  	_ = 	snop  }
0x3b: {  	_ = 	snop  }
0x3c: {  	p2 =	seq.s32 s10, $0x1;
	s10 =	sld [smem:$0x3FB3]  }
0x3d: {  	_ =	shalt  }
0x3e: {  	_ =	shalt  }
0x3f: {  	_ =	shalt  }
0x40: {  	_ =	shalt  }
0x41: {  	_ =	shalt  }
0x42: {  	_ =	shalt  }
0x43: {  	_ =	shalt  }
0x44: {  	_ =	shalt  }
0x45: {  	_ =	shalt  }
0x46: {  	_ =	shalt  }
0x47: {  	_ =	shalt  }
0x48: {  	_ =	shalt  }
0x49: {  	_ =	shalt  }
0x4a: {  	_ =	shalt  }
0x4b: {  	_ =	shalt  }
0x4c: {  	_ =	shalt  }
0x4d: {  	_ =	shalt  }
0x4e: {  	_ =	shalt  }
0x4f: {  	_ =	shalt  }
0x50: {  	_ =	shalt  }
0x51: {  	_ =	shalt  }
0x52: {  	_ =	shalt  }
0x53: {  	_ =	shalt  }
0x54: {  	_ =	shalt  }
0x55: {  	_ =	shalt  }
0x56: {  	_ =	shalt  }
0x57: {  	_ =	shalt  }
0x58: {  	_ =	shalt  }
0x59: {  	_ =	shalt  }
0x5a: {  	_ =	shalt  }
0x5b: {  	_ =	shalt  }
0x5c: {  	_ =	shalt  }
0x5d: {  	_ =	shalt  }
0x5e: {  	_ =	shalt  }
0x5f: {  	_ =	shalt  }
0x60: {  	_ =	shalt  }
0x61: {  	_ =	shalt  }
0x62: {  	_ =	shalt  }
0x63: {  	_ =	shalt  }
0x64: {  	_ =	shalt  }
0x65: {  	_ =	shalt  }
0x66: {  	_ =	shalt  }
0x67: {  	_ =	shalt  }
0x68: {  	_ =	shalt  }
0x69: {  	_ =	shalt  }
0x6a: {  	_ =	shalt  }
0x6b: {  	_ =	shalt  }
0x6c: {  	_ =	shalt  }
0x6d: {  	_ =	shalt  }
0x6e: {  	_ =	shalt  }
0x6f: {  	_ =	shalt  }
0x70: {  	_ =	shalt  }
0x71: {  	_ =	shalt  }
0x72: {  	_ =	shalt  }
0x73: {  	_ =	shalt  }
0x74: {  	_ =	shalt  }
0x75: {  	_ =	shalt  }
0x76: {  	_ =	shalt  }
0x77: {  	_ =	shalt  }
0x78: {  	_ =	shalt  }
0x79: {  	_ =	shalt  }
0x7a: {  	_ =	shalt  }
0x7b: {  	_ =	shalt  }
0x7c: {  	_ =	shalt  }
0x7d: {  	_ =	shalt  }
0x7e: {  	_ =	shalt  }
0x7f: {  	_ =	shalt  }
0x80: {  	_ =	shalt  }
0x81: {  	_ =	shalt  }
0x82: {  	_ =	shalt  }
0x83: {  	_ =	shalt  }
0x84: {  	_ =	shalt  }
0x85: {  	_ =	shalt  }
0x86: {  	_ =	shalt  }
0x87: {  	_ =	shalt  }
.Lfunc_end0:
.L_simem_size_0:
called_computation.1_lowered:
.L_overlay_start_0:
0x88: {  	s2 =	sld [smem:$0x3FD9]  }
0x89: {  	s3 =	sld [smem:$0x3FFE];
	_ =	sdelay $0x1  }
0x8a: {  	s1 =	srdreg.scid  }
0x8b: {  	s0 =	sand.u32 $0x1, s1  }
0x8c: {  	s17 =	sshll.u32 s0, $0xA;
	s2 =	sadd.s32 s3, s2  }
0x8d: {  	s2 =	sadd.s32 s2, s17  }
0x8e: {  	[smem:$0x3FBF] =	sst s2  }
0x8f: {  	_ = 	snop  }
0x90: {  	s2 =	sld [smem:$0x3FD0];
	(tm) =	ssettm $0x1  }
0x91: {  	s18 =	sld [smem:$0x3FFB];
	_ =	sdelay $0x3  }
0x92: {  	_ =	strace s18  }
0x93: {  	s3 =	sld [smem:$0x3FFC];
	_ =	sdelay $0x3  }
0x94: {  	_ =	strace s3  }
0x95: {  	s3 =	sld [smem:$0x3FFD];
	_ =	sdelay $0x3  }
0x96: {  	_ =	strace s3  }
0x97: {  	_ =	strace $0x8FFFFFFF  }
0x98: {  	s19 =	sld [smem:$0x3FDB];
	_ =	sdelay $0x1  }
0x99: {  	s4 =	simm.s32 $_scs_section_size  }
0x9a: {  	s5 =	simm.s32 $_size__tile_overlayer_lowered;
	s6 =	simm.s32 $_tile_overlayer_lowered  }
0x9b: {  	s22 =	simm.s32 $0x1BFF;
	s21 =	sshll.u32 s6, $0x1;
	s3 =	sadd.s32 s4, s19  }
0x9c: {  	s7 =	simm.s32 $0x0;
	s20 =	sshll.u32 s5, $0x1;
	s5 =	sadd.s32 s21, s3  }
0x9d: {  	[timem:s7], [sflag:s22] =	dma.local [hbm:s5], s20  }
0x9e: {  	_ =	swait.ge [sflag:s22], s20  }
0x9f: {  	s4 =	ssub.s32 $0x0, s20;
	[sflag:s22] =	ssyncset.done $0x0  }
0xa0: {  	[sflag:s22] =	ssyncadd.s32 s4;
	_ =	sdelay $0x1  }
0xa1: {  	s23 =	simm.s32 $0x1B8B  }
0xa2: {  	_ =	swait.ge [sflag:s23], $0x1  }
0xa3: {  	[sflag:s23] =	ssyncset.done $0x0  }
0xa4: {  	s25 =	simm.s32 $0x1B8E;
	s24 =	sld [smem:$0x3FFE];
	[sflag:s23] =	ssyncadd.s32 $0xFFFFFFFF  }
0xa5: {  	s26 =	simm.s32 $execute0_lowered;
	[smem:$0x3FD2] =	sst s25  }
0xa6: {  	s5 =	sshll.u32 s26, $0x1;
	_ =	strace $0x80000049;
	[dreg:$0x1] =	wrdreg $0xFFFFFFFF  }
0xa7: {  	s28 =	simm.s32 $_size_execute0_lowered;
	s3 =	sadd.s32 s3, s5;
	[dreg:$0x0] =	wrdreg $0x0  }
0xa8: {  	s5 =	sshll.u32 s28, $0x1;
	[dreg:$0x2] =	wrdreg s3  }
0xa9: {  	[dreg:$0x3] =	wrdreg s5  }
0xaa: {  	[dreg:$0x4] =	wrdreg $0xC0  }
0xab: {  	_ =	task [dreg:s7], $0x5FFFF  }
0xac: {  	[dreg:$0x1] =	wrdreg $0xFFFFFFFF  }
0xad: {  	[dreg:$0x0] =	wrdreg $0x60  }
0xae: {  	[dreg:$0x2] =	wrdreg s24  }
0xaf: {  	[dreg:$0x3] =	wrdreg s2  }
0xb0: {  	[dreg:$0x4] =	wrdreg $0xDD000  }
0xb1: {  	[dreg:$0x5] =	wrdreg $0x9  }
0xb2: {  	_ =	task.clear_ibuf [dreg:s7], $0x6FFFF;
	_ =	strace $0x90000049  }
0xb3: {  	s29 =	simm.s32 $0x9;
	_ =	strace $0x8000004B  }
0xb4: {  	_ =	swait.ge [sflag:s29], $0x1  }
0xb5: {  	[sflag:s29] =	ssyncadd.s32 $0xFFFFFFFF  }
0xb6: {  	_ =	strace $0x9000004B  }
0xb7: {  	_ =	sfence  }
0xb8: {  	s30 =	sld [smem:$0x0];
	_ =	sdelay $0x2  }
0xb9: {  	s31 =	sshll.u32 s1, $0xD;
	s1 =	sshrl.u32 s1, $0x2  }
0xba: {  	s3 =	sand.u32 $0x4000, s31;
	s1 =	sadd.s32 s1, s30  }
0xbb: {  	s0 =	sor.u32 s3, s0;
	s1 =	sshll.u32 s1, $0x11  }
0xbc: {  	s0 =	sor.u32 s1, s0  }
0xbd: {  	s0 =	sadd.s32 $0x8F2B, s0  }
0xbe: {  	[sflag:s0] =	ssyncadd.remote.s32 $0x1  }
0xbf: {  	_ =	sfence.sel $0xFFFF  }
0xc0: {  	[dreg:$0x0] =	wrdreg $0xFFFFFFFF;
	(pc) =	sbr.abs _section_cstart, $3  }
0xc1: {  	[dreg:$0x1] =	wrdreg $0xFFFFFFFF  }
0xc2: {  	_ =	task.clear_ibuf [dreg:s7], $0x2FFFF;
	_ =	strace $0x9FFFFFFF  }
0xc3: {  	(tm) =	ssettm $0x7FFFFFFF  }
tec
execute0_lowered:
.L_overlay_start_1:
0x0: {  	(tag) =	ssettag $0x1  }
0x1: {  	s5 =	rddreg [dreg:$0x0]  }
0x2: {  	s1 =	rddreg [dreg:$0x1]  }
0x3: {  	s2 =	rddreg [dreg:$0x2]  }
0x4: {  	s0 =	rddreg [dreg:$0x3]  }
0x5: {  	s3 =	simm.s32 $0x0;
	s4 =	stileid.u32;
	s6 =	srdreg.scid  }
0x6: {  	[smem:$0x7FF] =	sst s3;
	s9 =	smul.u32 $0x1380, s4  }
0x7: {  	s7 =	sshll.u32 s4, $0x4;
	s8 =	sand.u32 $0x1, s6;
	s26 =	smul.u32 $0x27000, s4  }
0x8: {  	s10 =	sadd.s32 $0x32E00, s5;
	p0 =	sne.s32 s4, $0x0;
	_ =	strace $0x8000004A  }
0x9: {  	s11 =	sadd.s32 s7, s5;
	s6 =	ssub.s32 $0x2, s8;
	s12 =	smul.u32 $0x9C400, s8  }
0xa: {  	s30 =	smul.u32 $0x13880, s8;
	s28 =	sshrl.u32 s6, $0x1;
	s29 =	sshrl.u32 s26, $0x2  }
0xb: {  	s14 =	smul.u32 $0x1388, s8;
	s13 =	ssub.s32 s6, s28;
	s5 =	sadd.s32 s29, s2  }
0xc: {  	s6 =	sadd.s32 $0x9C000, s2;
	s12 =	sshrl.u32 s12, $0x3;
	s7 =	sadd.s32 s9, s30  }
0xd: {  	v0 =	vmov s14;
	s14 =	simm.s32 $0x0;
	s31 =	sadd.s32 s10, s12;
	s7 =	sadd.s32 s10, s7  }
0xe: {  	s9 =	smax.u32 s13, $0x1;
	s10 =	sadd.s32 $0x1C00, s11;
	s11 =	sadd.s32 $0x6C00, s11  }
0xf: {  	v1 =	vimm.f32 $0.0e+00;
	s12 =	simm.s32 $0x4100;
	s13 =	simm.s32 $0x2;
	s8 =	sadd.s32 $0x13800, s31  }
.LBB2_1:
0x10: {  	s15 =	simm.s32 $0x0;
	s16 =	simm.s32 $0x200  }
.LBB2_2:
0x11: {  	p1 =	sne.s32 s16, $0x26E00;
	[tilespmem:s15+$0x4170] =	vst v1  }
0x12: {  	[tilespmem:s15+$0x4100] =	vst v1  }
0x13: {  	[tilespmem:s15+$0x4110] =	vst v1  }
.Ltmp0:
0x14: {  	[tilespmem:s15+$0x4120] =	vst v1;
	(pc) =	sbr.rel @p1 .LBB2_2-.Ltmp0, $4  }
0x15: {  	[tilespmem:s15+$0x4130] =	vst v1  }
0x16: {  	[tilespmem:s15+$0x4140] =	vst v1  }
0x17: {  	[tilespmem:s15+$0x4150] =	vst v1  }
0x18: {  	[tilespmem:s15+$0x4160] =	vst v1;
	s15 =	sshra.s32 s16, $0x2;
	s16 =	sadd.s32 $0x200, s16  }
0x19: {  	[tilespmem:s15+$0x4170] =	vst v1  }
0x1a: {  	[tilespmem:s15+$0x4100] =	vst v1  }
0x1b: {  	[tilespmem:s15+$0x4110] =	vst v1  }
0x1c: {  	[tilespmem:s15+$0x4120] =	vst v1  }
0x1d: {  	[tilespmem:s15+$0x4130] =	vst v1  }
0x1e: {  	[tilespmem:s15+$0x4140] =	vst v1  }
0x1f: {  	[tilespmem:s15+$0x4150] =	vst v1  }
0x20: {  	[tilespmem:s15+$0x4160] =	vst v1  }
0x21: {  	[spmem:s5] =	stream.linear.scatter [tilespmem:s12], [sflag:$0x2], $0x9C00, $0x38;
	[tilespmem:$0x17980] =	vst v63  }
0x22: {  	_ =	swait.ge [sflag:s13], $0x9C00  }
0x23: {  	[sflag:s13] =	ssyncset.done $0x0  }
0x24: {  	s15 =	simm.s32 @!p0 $0x4100;
	[sflag:s13] =	ssyncadd.s32 $0xFFFF6400  }
0x25: {  	[spmem:s6] =	stream.linear.scatter @!p0 [tilespmem:s15], [sflag:$0x2], $0x800, $0x38;
	[tilespmem:$0x17980] =	vst v63  }
0x26: {  	s15 =	simm.s32 @!p0 $0x2  }
0x27: {  	_ =	swait.ge @!p0 [sflag:s15], $0x800  }
0x28: {  	p1 =	sgt.u32 s4, $0x4E1;
	[sflag:s15] =	ssyncset.done @!p0 $0x0  }
0x29: {  	s16 =	sadd.s32 @!p1 $0x0, s11;
	s17 =	simm.s32 @!p1 $0x3;
	[sflag:s15] =	ssyncadd.s32 @!p0 $0xFFFFF800  }
0x2a: {  	s15 =	simm.s32 @!p1 $0x0;
	p1 =	por p1, p1;
	[bflag:$0x0] =	sbarrier.arrive $0xFFFF  }
0x2b: {  	[tilespmem:s15], [sflag:$0x3] =	stream.linear.gather @!p1 [hbm4b:s16+s15], $0x80, $0x38;
	[tilespmem:$0x17980] =	vst v63  }
0x2c: {  	_ =	swait.ge @!p1 [sflag:s17], $0x80  }
0x2d: {  	[sflag:s17] =	ssyncset.done @!p1 $0x0  }
0x2e: {  	s18 =	sadd.s32 @!p1 $0x0, s10;
	s16 =	simm.s32 @!p1 $0x80;
	[sflag:s17] =	ssyncadd.s32 @!p1 $0xFFFFFF80  }
0x2f: {  	[tilespmem:s16], [sflag:$0x3] =	stream.linear.gather @!p1 [hbm4b:s18+s15], $0x80, $0x38;
	[tilespmem:$0x17980] =	vst v63  }
0x30: {  	_ =	swait.ge @!p1 [sflag:s17], $0x80  }
0x31: {  	[sflag:s17] =	ssyncset.done @!p1 $0x0  }
0x32: {  	[sflag:s17] =	ssyncadd.s32 @!p1 $0xFFFFFF80  }
0x33: {  	v2 =	vld @!p1 [tilespmem:$0xD0]  }
0x34: {  	v3 =	vld @!p1 [tilespmem:$0xB0]  }
0x35: {  	v4 =	vld @!p1 [tilespmem:$0xA0]  }
0x36: {  	v5 =	vld @!p1 [tilespmem:$0x90]  }
0x37: {  	v6 =	vld @!p1 [tilespmem:$0xC0]  }
0x38: {  	v7 =	vld @!p1 [tilespmem:$0x80];
	v2 =	vsub.s32 @!p1 v2, v0  }
0x39: {  	v8 =	vld @!p1 [tilespmem:$0xE0];
	v3 =	vsub.s32 @!p1 v3, v0;
	v2 =	vmin.u32 @!p1 v2, $0x1388  }
0x3a: {  	v9 =	vld @!p1 [tilespmem:$0xF0];
	v4 =	vsub.s32 @!p1 v4, v0;
	v3 =	vmin.u32 @!p1 v3, $0x1388;
	[tilespmem:$0xD0] =	vst @!p1 v2  }
0x3b: {  	v4 =	vmin.u32 @!p1 v4, $0x1388;
	v2 =	vsub.s32 @!p1 v5, v0;
	[tilespmem:$0xB0] =	vst @!p1 v3  }
0x3c: {  	[tilespmem:$0xA0] =	vst @!p1 v4;
	v3 =	vsub.s32 @!p1 v6, v0;
	v2 =	vmin.u32 @!p1 v2, $0x1388  }
0x3d: {  	v4 =	vsub.s32 @!p1 v7, v0;
	[tilespmem:$0x90] =	vst @!p1 v2;
	v2 =	vmin.u32 @!p1 v3, $0x1388  }
0x3e: {  	v3 =	vmin.u32 @!p1 v4, $0x1388;
	[tilespmem:$0xC0] =	vst @!p1 v2;
	v2 =	vsub.s32 @!p1 v8, v0  }
0x3f: {  	s18 =	stileid.u32;
	s17 =	simm.s32 $0x100;
	[tilespmem:$0x80] =	vst @!p1 v3;
	v3 =	vsub.s32 @!p1 v9, v0;
	v2 =	vmin.u32 @!p1 v2, $0x1388  }
.LBB2_4:
0x40: {  	[tilespmem:$0xE0] =	vst @!p1 v2;
	v2 =	vmin.u32 @!p1 v3, $0x1388;
	s18 =	sadd.s32 $0x10, s18;
	s19 =	smov.u32 s17;
	s17 =	sadd.s32 $0x100, s17  }
0x41: {  	s20 =	simm.s32 @!p1 $0x100;
	s21 =	simm.s32 @!p1 $0x1;
	p2 =	sne.s32 s17, $0x4F00;
	[tilespmem:$0xF0] =	vst @!p1 v2  }
0x42: {  	[tilespmem:s20], [sflag:$0x1] =	stream.indirect.gather @!p1 [hbm4b:s1+s16], $0x80, s15, s16, $0xb8;
	[tilespmem:$0x17980] =	vst v63  }
0x43: {  	_ =	swait.ge @!p1 [sflag:s21], $0x4000  }
0x44: {  	[sflag:s21] =	ssyncset.done @!p1 $0x0  }
0x45: {  	p3 =	sgt.u32 s18, $0x4E1;
	[sflag:s21] =	ssyncadd.s32 @!p1 $0xFFFFC000;
	s21 =	simm.s32 @!p1 $0x2  }
0x46: {  	[spmem:s2] =	stream.indirect.scatter.add.f32 @!p1 [tilespmem:s20], [sflag:$0x2], $0x80, s16, s16, $0xb8;
	[tilespmem:$0x17980] =	vst v63  }
0x47: {  	s15 =	simm.s32 @!p3 $0x0;
	s16 =	sadd.s32 @!p3 s19, s11;
	_ =	swait.ge @!p1 [sflag:s21], $0x4000  }
0x48: {  	s20 =	simm.s32 @!p3 $0x3;
	[sflag:s21] =	ssyncset.done @!p1 $0x0  }
0x49: {  	[sflag:s21] =	ssyncadd.s32 @!p1 $0xFFFFC000;
	p1 =	por p3, p3  }
0x4a: {  	[tilespmem:s15], [sflag:$0x3] =	stream.linear.gather @!p1 [hbm4b:s16+s15], $0x80, $0x38;
	[tilespmem:$0x17980] =	vst v63  }
0x4b: {  	s19 =	sadd.s32 @!p1 s19, s10;
	s16 =	simm.s32 @!p1 $0x80;
	_ =	swait.ge @!p1 [sflag:s20], $0x80  }
0x4c: {  	[sflag:s20] =	ssyncset.done @!p1 $0x0  }
0x4d: {  	[sflag:s20] =	ssyncadd.s32 @!p1 $0xFFFFFF80  }
0x4e: {  	[tilespmem:s16], [sflag:$0x3] =	stream.linear.gather @!p1 [hbm4b:s19+s15], $0x80, $0x38;
	[tilespmem:$0x17980] =	vst v63  }
0x4f: {  	_ =	swait.ge @!p1 [sflag:s20], $0x80  }
0x50: {  	[sflag:s20] =	ssyncset.done @!p1 $0x0  }
0x51: {  	[sflag:s20] =	ssyncadd.s32 @!p1 $0xFFFFFF80  }
0x52: {  	v2 =	vld @!p1 [tilespmem:$0xD0]  }
0x53: {  	v3 =	vld @!p1 [tilespmem:$0xB0]  }
0x54: {  	v4 =	vld @!p1 [tilespmem:$0xA0]  }
0x55: {  	v5 =	vld @!p1 [tilespmem:$0x90]  }
0x56: {  	v6 =	vld @!p1 [tilespmem:$0xC0]  }
0x57: {  	v7 =	vld @!p1 [tilespmem:$0x80];
	v2 =	vsub.s32 @!p1 v2, v0  }
0x58: {  	v3 =	vsub.s32 @!p1 v3, v0;
	v2 =	vmin.u32 @!p1 v2, $0x1388;
	v8 =	vld @!p1 [tilespmem:$0xE0]  }
0x59: {  	v4 =	vsub.s32 @!p1 v4, v0;
	v3 =	vmin.u32 @!p1 v3, $0x1388;
	[tilespmem:$0xD0] =	vst @!p1 v2;
	v9 =	vld @!p1 [tilespmem:$0xF0]  }
.Ltmp1:
0x5a: {  	v2 =	vsub.s32 @!p1 v5, v0;
	v4 =	vmin.u32 @!p1 v4, $0x1388;
	[tilespmem:$0xB0] =	vst @!p1 v3;
	(pc) =	sbr.rel @p2 .LBB2_4-.Ltmp1, $4  }
0x5b: {  	v2 =	vmin.u32 @!p1 v2, $0x1388;
	[tilespmem:$0xA0] =	vst @!p1 v4;
	v3 =	vsub.s32 @!p1 v6, v0  }
0x5c: {  	v4 =	vsub.s32 @!p1 v7, v0;
	[tilespmem:$0x90] =	vst @!p1 v2;
	v2 =	vmin.u32 @!p1 v3, $0x1388  }
0x5d: {  	v3 =	vmin.u32 @!p1 v4, $0x1388;
	[tilespmem:$0xC0] =	vst @!p1 v2;
	v2 =	vsub.s32 @!p1 v8, v0  }
0x5e: {  	[tilespmem:$0x80] =	vst @!p1 v3;
	v2 =	vmin.u32 @!p1 v2, $0x1388;
	v3 =	vsub.s32 @!p1 v9, v0  }
0x5f: {  	[tilespmem:$0xE0] =	vst @!p1 v2;
	v2 =	vmin.u32 @!p1 v3, $0x1388  }
0x60: {  	s17 =	simm.s32 @!p1 $0x100;
	s18 =	simm.s32 @!p1 $0x1;
	[tilespmem:$0xF0] =	vst @!p1 v2  }
0x61: {  	[tilespmem:s17], [sflag:$0x1] =	stream.indirect.gather @!p1 [hbm4b:s1+s16], $0x80, s15, s16, $0xb8;
	[tilespmem:$0x17980] =	vst v63  }
0x62: {  	_ =	swait.ge @!p1 [sflag:s18], $0x4000  }
0x63: {  	[sflag:s18] =	ssyncset.done @!p1 $0x0  }
0x64: {  	s15 =	simm.s32 @!p1 $0x2;
	[sflag:s18] =	ssyncadd.s32 @!p1 $0xFFFFC000  }
0x65: {  	[spmem:s2] =	stream.indirect.scatter.add.f32 @!p1 [tilespmem:s17], [sflag:$0x2], $0x80, s16, s16, $0xb8;
	[tilespmem:$0x17980] =	vst v63  }
0x66: {  	_ =	swait.ge @!p1 [sflag:s15], $0x4000  }
0x67: {  	[sflag:s15] =	ssyncset.done @!p1 $0x0  }
0x68: {  	[sflag:s15] =	ssyncadd.s32 @!p1 $0xFFFFC000  }
0x69: {  	[bflag:$0x0] =	sbarrier.arrive $0xFFFF  }
0x6a: {  	[tilespmem:s12], [sflag:$0x2] =	stream.linear.gather [spmem:s5], $0x9C00, $0x38;
	[tilespmem:$0x17980] =	vst v63  }
0x6b: {  	_ =	swait.ge [sflag:s13], $0x9C00  }
0x6c: {  	[sflag:s13] =	ssyncset.done $0x0  }
0x6d: {  	[sflag:s13] =	ssyncadd.s32 $0xFFFF6400  }
0x6e: {  	[hbm4b:s7+s3] =	stream.linear.scatter [tilespmem:s12], [sflag:$0x2], $0x9C00, $0x38;
	[tilespmem:$0x17980] =	vst v63  }
0x6f: {  	_ =	swait.ge [sflag:s13], $0x9C00  }
0x70: {  	[sflag:s13] =	ssyncset.done $0x0  }
0x71: {  	s16 =	simm.s32 @!p0 $0x2;
	s15 =	simm.s32 @!p0 $0x4100;
	[sflag:s13] =	ssyncadd.s32 $0xFFFF6400  }
0x72: {  	[tilespmem:s15], [sflag:$0x2] =	stream.linear.gather @!p0 [spmem:s6], $0x400, $0x38;
	[tilespmem:$0x17980] =	vst v63  }
0x73: {  	s14 =	sadd.s32 $0x1, s14;
	_ =	swait.ge @!p0 [sflag:s16], $0x400  }
0x74: {  	p1 =	sne.s32 s14, s9;
	[sflag:s16] =	ssyncset.done @!p0 $0x0  }
.Ltmp2:
0x75: {  	s17 =	simm.s32 @!p0 $0x0;
	[sflag:s16] =	ssyncadd.s32 @!p0 $0xFFFFFC00;
	(pc) =	sbr.rel @p1 .LBB2_1-.Ltmp2, $4  }
0x76: {  	[hbm4b:s8+s17] =	stream.linear.scatter @!p0 [tilespmem:s15], [sflag:$0x2], $0x400, $0x38;
	[tilespmem:$0x17980] =	vst v63  }
0x77: {  	_ =	swait.ge @!p0 [sflag:s16], $0x400  }
0x78: {  	[sflag:s16] =	ssyncset.done @!p0 $0x0  }
0x79: {  	[sflag:s16] =	ssyncadd.s32 @!p0 $0xFFFFFC00  }
0x7a: {  	_ =	sfence.sel $0x180000  }
0x7b: {  	[bflag:$0x0] =	sbarrier.arrive $0xFFFF  }
0x7c: {  	_ =	strace $0x9000004A  }
0x7d: {  	s0 =	sadd.s32 @!p0 $0x100000, s0;
	[bflag:$0x2] =	sbarrier.arrive $0xFFFF  }
0x7e: {  	[sflag:s0] =	ssyncadd.tile.s32 @!p0 $0x1;
	_ =	shalt  }
.Lfunc_end2:
_tile_overlayer_lowered:
.L_overlay_start_2:
0x7f: {  	(tag) =	ssettag $0x2  }
0x80: {  	s0 =	rddreg [dreg:$0x0];
	s2 =	stileid.u32  }
0x81: {  	s1 =	rddreg [dreg:$0x1];
	p0 =	sne.s32 s2, $0x0  }
0x82: {  	s3 =	rddreg [dreg:$0x2];
	[bflag:$0x3] =	sbarrier.arrive $0xFFFF;
	s2 =	simm.s32 @!p0 $0x1C02  }
0x83: {  	[timem:s3], [sflag:s2] =	dma.local @!p0 [hbm:s0], s1  }
0x84: {  	s0 =	simm.s32 @!p0 $0x2  }
0x85: {  	_ =	swait.ge @!p0 [sflag:s0], s1  }
0x86: {  	s1 =	ssub.s32 @!p0 $0x0, s1;
	[sflag:s0] =	ssyncset.done @!p0 $0x0  }
0x87: {  	[sflag:s0] =	ssyncadd.s32 @!p0 s1  }
0x88: {  	[bflag:$0x3] =	sbarrier.arrive $0xFFFF  }
0x89: {  	_ =	shalt  }

// kernel: kernel.9.cloned.1.call-start
scs
__scs_entry_jumppad:
0x0: {  	(pc) =	sbr.rel $0x88, $3  }
0x1: {  	(tag) =	ssettag $0x0;
	lr =	simm.s32 $0x1  }
0x2: {  	[smem:$0x3F98] =	sst lr;
	_ =	strace $0xD0000000  }
0x3: {  	_ = 	snop  }
0x4: {  	_ = 	snop  }
0x5: {  	_ = 	snop  }
0x6: {  	_ = 	snop  }
0x7: {  	_ = 	snop  }
__scs_overlays_trampoline_lowered:
0x8: {  	[smem:$0x3FA7] =	sst s0  }
0x9: {  	[smem:$0x3FA8] =	sst s1  }
0xa: {  	[smem:$0x3FA9] =	sst s2  }
0xb: {  	[smem:$0x3FAA] =	sst s3  }
0xc: {  	[smem:$0x3FAB] =	sst s4  }
0xd: {  	[smem:$0x3FAC] =	sst s5  }
0xe: {  	[smem:$0x3FAD] =	sst s6  }
0xf: {  	[smem:$0x3FAE] =	sst s7  }
0x10: {  	[smem:$0x3FAF] =	sst s8  }
0x11: {  	[smem:$0x3FB0] =	sst s9;
	s0 =	simm.s32 @!p0 $0x0  }
0x12: {  	s1 =	sld [smem:$0x3F96];
	s0 =	simm.s32 @p0 $0x1  }
0x13: {  	[smem:$0x3FB1] =	sst s0;
	s0 =	simm.s32 @!p1 $0x0  }
0x14: {  	s2 =	sld [smem:$0x3F95];
	s0 =	simm.s32 @p1 $0x1  }
0x15: {  	[smem:$0x3FB2] =	sst s0;
	s0 =	simm.s32 @!p2 $0x0  }
0x16: {  	s3 =	sld [smem:$0x3FDB];
	s0 =	simm.s32 @p2 $0x1  }
0x17: {  	s4 =	simm.s32 $0x1BF5;
	[smem:$0x3FB4] =	sst s0  }
0x18: {  	s0 =	sld [smem:$0x3F97];
	_ =	swait.ge [sflag:s4], $0x0  }
0x19: {  	s7 =	sld [smem:$0x3F98]  }
0x1a: {  	s8 =	sadd.s32 $0xFFFFE003, lr  }
0x1b: {  	s9 =	sadd.s32 $0xFFFFFEF7, lr;
	s5 =	simm.s32 $0xFFFFFFFF;
	p2 =	slt.u32 s8, $0xFFFFF086  }
0x1c: {  	p1 =	slt.u32 s9, $0xF7A;
	s5 =	simm.s32 @!p2 $0x0  }
0x1d: {  	s5 =	simm.s32 @p1 $0x1;
	p0 =	seq.s32 s7, s2  }
0x1e: {  	s7 =	smul.u32 @!p0 $0xF7A, s2;
	p2 =	seq.s32 @!p0 s5, $0x0  }
0x1f: {  	s9 =	smul.u32 $0xF7A, s1;
	s8 =	simm.s32 @!p0 $0x1BF5;
	p2 =	por !p2, p0  }
0x20: {  	[sflag:s8] =	ssyncset.s32 @!p0 $0xFFFFF086;
	s6 =	sadd.s32 @!p0 s3, s7;
	s7 =	simm.s32 @!p0 $0x108  }
0x21: {  	s3 =	sadd.s32 s3, s9;
	s6 =	sadd.s32 @!p0 $0x88, s6;
	s7 =	simm.s32 @p2 $0x1082  }
0x22: {  	[simem:s7], [sflag:s8] =	dma.local @!p0 [hbm:s6], $0xF7A  }
0x23: {  	s9 =	sor.u32 $0xD0000000, s2;
	s6 =	simm.s32 $0x108;
	_ =	swait.ge @!p0 [sflag:s8], $0x0  }
0x24: {  	s3 =	sadd.s32 $0x88, s3;
	s6 =	simm.s32 @!p1 $0x1082;
	[sflag:s4] =	ssyncset.s32 $0xFFFFF086  }
0x25: {  	[simem:s6], [sflag:s4] =	dma.local [hbm:s3], $0xF7A  }
0x26: {  	[smem:$0x3F98] =	sst s1;
	(tag) =	ssettag s2;
	_ =	strace s9  }
0x27: {  	s1 =	sld [smem:$0x3FA8]  }
0x28: {  	s2 =	sld [smem:$0x3FA9]  }
0x29: {  	s4 =	sld [smem:$0x3FAB]  }
0x2a: {  	p0 =	seq.s32 s5, $0x0;
	s5 =	sld [smem:$0x3FAC]  }
0x2b: {  	s6 =	sld [smem:$0x3FAD]  }
0x2c: {  	s7 =	sld [smem:$0x3FAE]  }
0x2d: {  	s3 =	simm.s32 $0x108;
	s8 =	sld [smem:$0x3FAF]  }
0x2e: {  	s3 =	simm.s32 @!p0 $0x1082;
	s9 =	sld [smem:$0x3FB0]  }
0x2f: {  	lr =	sadd.s32 s0, s3;
	s0 =	sld [smem:$0x3FA7]  }
0x30: {  	s3 =	sld [smem:$0x3FAA]  }
0x31: {  	[smem:$0x3FB3] =	sst s10  }
0x32: {  	s10 =	sld [smem:$0x3FB1];
	_ =	sdelay $0x3  }
0x33: {  	p0 =	seq.s32 s10, $0x1;
	s10 =	sld [smem:$0x3FB3];
	_ =	sdelay $0x3  }
0x34: {  	[smem:$0x3FB3] =	sst s10  }
0x35: {  	s10 =	sld [smem:$0x3FB2];
	_ =	sdelay $0x3  }
0x36: {  	p1 =	seq.s32 s10, $0x1;
	s10 =	sld [smem:$0x3FB3];
	_ =	sdelay $0x3  }
0x37: {  	[smem:$0x3FB3] =	sst s10  }
0x38: {  	s10 =	sld [smem:$0x3FB4]  }
0x39: {  	_ = 	snop;
	(pc) =	sbr.ind lr, $3  }
0x3a: {  	_ = 	snop  }
0x3b: {  	_ = 	snop  }
0x3c: {  	p2 =	seq.s32 s10, $0x1;
	s10 =	sld [smem:$0x3FB3]  }
0x3d: {  	_ =	shalt  }
0x3e: {  	_ =	shalt  }
0x3f: {  	_ =	shalt  }
0x40: {  	_ =	shalt  }
0x41: {  	_ =	shalt  }
0x42: {  	_ =	shalt  }
0x43: {  	_ =	shalt  }
0x44: {  	_ =	shalt  }
0x45: {  	_ =	shalt  }
0x46: {  	_ =	shalt  }
0x47: {  	_ =	shalt  }
0x48: {  	_ =	shalt  }
0x49: {  	_ =	shalt  }
0x4a: {  	_ =	shalt  }
0x4b: {  	_ =	shalt  }
0x4c: {  	_ =	shalt  }
0x4d: {  	_ =	shalt  }
0x4e: {  	_ =	shalt  }
0x4f: {  	_ =	shalt  }
0x50: {  	_ =	shalt  }
0x51: {  	_ =	shalt  }
0x52: {  	_ =	shalt  }
0x53: {  	_ =	shalt  }
0x54: {  	_ =	shalt  }
0x55: {  	_ =	shalt  }
0x56: {  	_ =	shalt  }
0x57: {  	_ =	shalt  }
0x58: {  	_ =	shalt  }
0x59: {  	_ =	shalt  }
0x5a: {  	_ =	shalt  }
0x5b: {  	_ =	shalt  }
0x5c: {  	_ =	shalt  }
0x5d: {  	_ =	shalt  }
0x5e: {  	_ =	shalt  }
0x5f: {  	_ =	shalt  }
0x60: {  	_ =	shalt  }
0x61: {  	_ =	shalt  }
0x62: {  	_ =	shalt  }
0x63: {  	_ =	shalt  }
0x64: {  	_ =	shalt  }
0x65: {  	_ =	shalt  }
0x66: {  	_ =	shalt  }
0x67: {  	_ =	shalt  }
0x68: {  	_ =	shalt  }
0x69: {  	_ =	shalt  }
0x6a: {  	_ =	shalt  }
0x6b: {  	_ =	shalt  }
0x6c: {  	_ =	shalt  }
0x6d: {  	_ =	shalt  }
0x6e: {  	_ =	shalt  }
0x6f: {  	_ =	shalt  }
0x70: {  	_ =	shalt  }
0x71: {  	_ =	shalt  }
0x72: {  	_ =	shalt  }
0x73: {  	_ =	shalt  }
0x74: {  	_ =	shalt  }
0x75: {  	_ =	shalt  }
0x76: {  	_ =	shalt  }
0x77: {  	_ =	shalt  }
0x78: {  	_ =	shalt  }
0x79: {  	_ =	shalt  }
0x7a: {  	_ =	shalt  }
0x7b: {  	_ =	shalt  }
0x7c: {  	_ =	shalt  }
0x7d: {  	_ =	shalt  }
0x7e: {  	_ =	shalt  }
0x7f: {  	_ =	shalt  }
0x80: {  	_ =	shalt  }
0x81: {  	_ =	shalt  }
0x82: {  	_ =	shalt  }
0x83: {  	_ =	shalt  }
0x84: {  	_ =	shalt  }
0x85: {  	_ =	shalt  }
0x86: {  	_ =	shalt  }
0x87: {  	_ =	shalt  }
.Lfunc_end0:
.L_simem_size_0:
called_computation_lowered:
.L_overlay_start_0:
0x88: {  	s2 =	sld [smem:$0x3FD9]  }
0x89: {  	s3 =	sld [smem:$0x3FFE];
	_ =	sdelay $0x1  }
0x8a: {  	s1 =	srdreg.scid  }
0x8b: {  	s0 =	sand.u32 $0x1, s1  }
0x8c: {  	s17 =	sshll.u32 s0, $0xA;
	s2 =	sadd.s32 s3, s2  }
0x8d: {  	s2 =	sadd.s32 s2, s17  }
0x8e: {  	[smem:$0x3FBF] =	sst s2  }
0x8f: {  	_ = 	snop  }
0x90: {  	s2 =	sld [smem:$0x3FD0];
	(tm) =	ssettm $0x1  }
0x91: {  	s18 =	sld [smem:$0x3FFB];
	_ =	sdelay $0x3  }
0x92: {  	_ =	strace s18  }
0x93: {  	s3 =	sld [smem:$0x3FFC];
	_ =	sdelay $0x3  }
0x94: {  	_ =	strace s3  }
0x95: {  	s3 =	sld [smem:$0x3FFD];
	_ =	sdelay $0x3  }
0x96: {  	_ =	strace s3  }
0x97: {  	_ =	strace $0x8FFFFFFF  }
0x98: {  	s19 =	sld [smem:$0x3FDB];
	_ =	sdelay $0x1  }
0x99: {  	s4 =	simm.s32 $_scs_section_size  }
0x9a: {  	s5 =	simm.s32 $_size__tile_overlayer_lowered;
	s6 =	simm.s32 $_tile_overlayer_lowered  }
0x9b: {  	s22 =	simm.s32 $0x1BFF;
	s21 =	sshll.u32 s6, $0x1;
	s3 =	sadd.s32 s4, s19  }
0x9c: {  	s7 =	simm.s32 $0x0;
	s20 =	sshll.u32 s5, $0x1;
	s5 =	sadd.s32 s21, s3  }
0x9d: {  	[timem:s7], [sflag:s22] =	dma.local [hbm:s5], s20  }
0x9e: {  	_ =	swait.ge [sflag:s22], s20  }
0x9f: {  	s4 =	ssub.s32 $0x0, s20;
	[sflag:s22] =	ssyncset.done $0x0  }
0xa0: {  	[sflag:s22] =	ssyncadd.s32 s4;
	_ =	sdelay $0x1  }
0xa1: {  	s23 =	simm.s32 $0x1B8B  }
0xa2: {  	_ =	swait.ge [sflag:s23], $0x1  }
0xa3: {  	[sflag:s23] =	ssyncset.done $0x0  }
0xa4: {  	s25 =	simm.s32 $0x1B8E;
	s24 =	sld [smem:$0x3FFE];
	[sflag:s23] =	ssyncadd.s32 $0xFFFFFFFF  }
0xa5: {  	s26 =	simm.s32 $execute0_lowered;
	[smem:$0x3FD2] =	sst s25  }
0xa6: {  	s5 =	sshll.u32 s26, $0x1;
	_ =	strace $0x80000046;
	[dreg:$0x1] =	wrdreg $0xFFFFFFFF  }
0xa7: {  	s28 =	simm.s32 $_size_execute0_lowered;
	s3 =	sadd.s32 s3, s5;
	[dreg:$0x0] =	wrdreg $0x0  }
0xa8: {  	s5 =	sshll.u32 s28, $0x1;
	[dreg:$0x2] =	wrdreg s3  }
0xa9: {  	[dreg:$0x3] =	wrdreg s5  }
0xaa: {  	[dreg:$0x4] =	wrdreg $0xC0  }
0xab: {  	_ =	task [dreg:s7], $0x5FFFF  }
0xac: {  	[dreg:$0x1] =	wrdreg $0xFFFFFFFF  }
0xad: {  	[dreg:$0x0] =	wrdreg $0x60  }
0xae: {  	[dreg:$0x2] =	wrdreg s2  }
0xaf: {  	[dreg:$0x3] =	wrdreg s24  }
0xb0: {  	[dreg:$0x4] =	wrdreg $0xDD000  }
0xb1: {  	[dreg:$0x5] =	wrdreg $0x9  }
0xb2: {  	_ =	task.clear_ibuf [dreg:s7], $0x6FFFF;
	_ =	strace $0x90000046  }
0xb3: {  	s29 =	simm.s32 $0x9;
	_ =	strace $0x80000048  }
0xb4: {  	_ =	swait.ge [sflag:s29], $0x1  }
0xb5: {  	[sflag:s29] =	ssyncadd.s32 $0xFFFFFFFF  }
0xb6: {  	_ =	strace $0x90000048  }
0xb7: {  	_ =	sfence  }
0xb8: {  	s30 =	sld [smem:$0x0];
	_ =	sdelay $0x2  }
0xb9: {  	s31 =	sshll.u32 s1, $0xD;
	s1 =	sshrl.u32 s1, $0x2  }
0xba: {  	s3 =	sand.u32 $0x4000, s31;
	s1 =	sadd.s32 s1, s30  }
0xbb: {  	s0 =	sor.u32 s3, s0;
	s1 =	sshll.u32 s1, $0x11  }
0xbc: {  	s0 =	sor.u32 s1, s0  }
0xbd: {  	s0 =	sadd.s32 $0x8F2B, s0  }
0xbe: {  	[sflag:s0] =	ssyncadd.remote.s32 $0x1  }
0xbf: {  	_ =	sfence.sel $0xFFFF  }
0xc0: {  	[dreg:$0x0] =	wrdreg $0xFFFFFFFF;
	(pc) =	sbr.abs _section_cstart, $3  }
0xc1: {  	[dreg:$0x1] =	wrdreg $0xFFFFFFFF  }
0xc2: {  	_ =	task.clear_ibuf [dreg:s7], $0x2FFFF;
	_ =	strace $0x9FFFFFFF  }
0xc3: {  	(tm) =	ssettm $0x7FFFFFFF  }
tec
execute0_lowered:
.L_overlay_start_1:
0x0: {  	(tag) =	ssettag $0x1  }
0x1: {  	s9 =	rddreg [dreg:$0x0]  }
0x2: {  	s4 =	rddreg [dreg:$0x1]  }
0x3: {  	s1 =	rddreg [dreg:$0x2]  }
0x4: {  	s0 =	rddreg [dreg:$0x3];
	s2 =	simm.s32 $0x0  }
0x5: {  	s5 =	srdreg.scid;
	s3 =	stileid.u32;
	s14 =	simm.s32 $0x100  }
0x6: {  	s15 =	simm.s32 $0x0;
	[smem:$0x7FF] =	sst s2;
	s7 =	smul.u32 $0x1380, s3  }
0x7: {  	s6 =	sand.u32 $0x1, s5;
	s8 =	smul.u32 $0x27000, s3;
	s10 =	sadd.s32 $0xBC00, s4  }
0x8: {  	s31 =	sshll.u32 s3, $0x5;
	p0 =	sne.s32 s3, $0x0;
	s11 =	smul.u32 $0x9C400, s6  }
0x9: {  	_ =	strace $0x80000047;
	s5 =	ssub.s32 $0x2, s6;
	s28 =	smul.u32 $0x13880, s6  }
0xa: {  	s13 =	smul.u32 $0x1388, s6;
	s9 =	sadd.s32 s31, s9;
	s25 =	sshrl.u32 s5, $0x1  }
.Ltmp0:
0xb: {  	s26 =	sshrl.u32 s8, $0x2;
	s12 =	ssub.s32 s5, s25;
	(pc) =	sbr.rel .LBB2_1-.Ltmp0, $4  }
0xc: {  	s4 =	sadd.s32 s26, s1;
	s5 =	sadd.s32 $0x9C000, s1;
	s11 =	sshrl.u32 s11, $0x3  }
0xd: {  	s29 =	sadd.s32 s7, s28;
	v0 =	vmov s13;
	s13 =	simm.s32 $0x80;
	s30 =	sadd.s32 s10, s11  }
0xe: {  	s6 =	sadd.s32 s10, s29;
	s8 =	smax.u32 s12, $0x1;
	s10 =	simm.s32 $0x4100  }
0xf: {  	v1 =	vimm.f32 $0.0e+00;
	s11 =	simm.s32 $0x1;
	s12 =	simm.s32 $0x2;
	s7 =	sadd.s32 $0x13800, s30  }
.LBB2_7:
0x10: {  	[bflag:$0x0] =	sbarrier.arrive $0xFFFF  }
0x11: {  	[tilespmem:s10], [sflag:$0x1] =	stream.linear.gather [spmem:s4], $0x9C00, $0x38;
	[tilespmem:$0xF090] =	vst v63  }
0x12: {  	_ =	swait.ge [sflag:s11], $0x9C00  }
0x13: {  	[sflag:s11] =	ssyncset.done $0x0  }
0x14: {  	[sflag:s11] =	ssyncadd.s32 $0xFFFF6400  }
0x15: {  	[hbm4b:s6+s2] =	stream.linear.scatter [tilespmem:s10], [sflag:$0x1], $0x9C00, $0x38;
	[tilespmem:$0xF090] =	vst v63  }
0x16: {  	_ =	swait.ge [sflag:s11], $0x9C00  }
0x17: {  	[sflag:s11] =	ssyncset.done $0x0  }
0x18: {  	s16 =	simm.s32 @!p0 $0x4100;
	s17 =	simm.s32 @!p0 $0x1;
	[sflag:s11] =	ssyncadd.s32 $0xFFFF6400  }
0x19: {  	[tilespmem:s16], [sflag:$0x1] =	stream.linear.gather @!p0 [spmem:s5], $0x400, $0x38;
	[tilespmem:$0xF090] =	vst v63  }
0x1a: {  	s15 =	sadd.s32 $0x1, s15;
	_ =	swait.ge @!p0 [sflag:s17], $0x400  }
0x1b: {  	p1 =	sne.s32 s15, s8;
	[sflag:s17] =	ssyncset.done @!p0 $0x0  }
.Ltmp1:
0x1c: {  	s18 =	simm.s32 @!p0 $0x0;
	[sflag:s17] =	ssyncadd.s32 @!p0 $0xFFFFFC00;
	(pc) =	sbr.rel @!p1 .LBB2_8-.Ltmp1, $4  }
0x1d: {  	[hbm4b:s7+s18] =	stream.linear.scatter @!p0 [tilespmem:s16], [sflag:$0x1], $0x400, $0x38;
	[tilespmem:$0xF090] =	vst v63  }
0x1e: {  	_ =	swait.ge @!p0 [sflag:s17], $0x400  }
0x1f: {  	[sflag:s17] =	ssyncset.done @!p0 $0x0  }
0x20: {  	[sflag:s17] =	ssyncadd.s32 @!p0 $0xFFFFFC00  }
.LBB2_1:
0x21: {  	p1 =	por $0x0, $0x0  }
0x22: {  	v2 =	vimm.f32 @!p1 $1.000000000e+00  }
0x23: {  	s16 =	simm.s32 $0x1;
	s17 =	simm.s32 $0x4100;
	s18 =	simm.s32 $0x100;
	[tilespmem:s14+$0x0] =	vst @!p1 v2  }
.LBB2_2:
0x24: {  	s19 =	smov.u32 s16;
	s16 =	sadd.s32 $0x1, s16  }
0x25: {  	[tilespmem:s17+$0x0] =	vst v1;
	s17 =	sadd.s32 $0x80, s17;
	s18 =	sadd.s32 $0x80, s18;
	p1 =	sne.s32 s16, $0x138  }
.Ltmp2:
0x26: {  	(pc) =	sbr.rel @p1 .LBB2_2-.Ltmp2, $4  }
0x27: {  	_ = 	snop  }
0x28: {  	p2 =	sgt.u32 s19, $0x7F  }
0x29: {  	v2 =	vimm.f32 @!p2 $1.000000000e+00  }
0x2a: {  	[tilespmem:s18+$0x0] =	vst @!p2 v2  }
0x2b: {  	[tilespmem:s17+$0x0] =	vst v1  }
0x2c: {  	[spmem:s4] =	stream.linear.scatter [tilespmem:s10], [sflag:$0x1], $0x9C00, $0x38;
	[tilespmem:$0xF090] =	vst v63  }
0x2d: {  	_ =	swait.ge [sflag:s11], $0x9C00  }
0x2e: {  	[sflag:s11] =	ssyncset.done $0x0  }
0x2f: {  	s16 =	simm.s32 @!p0 $0x4100;
	[sflag:s11] =	ssyncadd.s32 $0xFFFF6400  }
0x30: {  	[spmem:s5] =	stream.linear.scatter @!p0 [tilespmem:s16], [sflag:$0x1], $0x800, $0x38;
	[tilespmem:$0xF090] =	vst v63  }
0x31: {  	s16 =	simm.s32 @!p0 $0x1  }
.Ltmp3:
0x32: {  	_ =	swait.ge @!p0 [sflag:s16], $0x800;
	(pc) =	sbr.rel .LBB2_4-.Ltmp3, $4  }
0x33: {  	[sflag:s16] =	ssyncset.done @!p0 $0x0  }
0x34: {  	[sflag:s16] =	ssyncadd.s32 @!p0 $0xFFFFF800  }
0x35: {  	[bflag:$0x0] =	sbarrier.arrive $0xFFFF  }
0x36: {  	s17 =	smov.u32 s9;
	s16 =	simm.s32 $0x0  }
.LBB2_6:
0x37: {  	s16 =	sadd.s32 $0x10, s16  }
0x38: {  	p1 =	sne.s32 s16, $0x280  }
.Ltmp4:
0x39: {  	_ = 	snop;
	(pc) =	sbr.rel @!p1 .LBB2_7-.Ltmp4, $2  }
0x3a: {  	_ =	sdelay $0x2  }
0x3b: {  	s17 =	sadd.s32 $0x200, s17  }
.LBB2_4:
0x3c: {  	s18 =	sadd.s32 s16, s3  }
0x3d: {  	p1 =	sgt.u32 s18, $0x270  }
.Ltmp5:
0x3e: {  	_ = 	snop;
	(pc) =	sbr.rel @p1 .LBB2_6-.Ltmp5, $1  }
0x3f: {  	_ =	sdelay $0x3  }
0x40: {  	[tilespmem:s2], [sflag:$0x2] =	stream.linear.gather [hbm4b:s17+s2], $0x100, $0x38;
	[tilespmem:$0xF090] =	vst v63  }
0x41: {  	_ =	swait.ge [sflag:s12], $0x100  }
0x42: {  	[sflag:s12] =	ssyncset.done $0x0  }
0x43: {  	[sflag:s12] =	ssyncadd.s32 $0xFFFFFF00  }
0x44: {  	v2 =	vld [tilespmem:$0x0]  }
0x45: {  	v3 =	vld [tilespmem:$0x10]  }
0x46: {  	v4 =	vld [tilespmem:$0x20]  }
0x47: {  	v5 =	vld [tilespmem:$0x30]  }
0x48: {  	v6 =	vld [tilespmem:$0x40]  }
0x49: {  	v7 =	vld [tilespmem:$0x50];
	v2 =	vsub.s32 v2, v0  }
0x4a: {  	v8 =	vld [tilespmem:$0x60];
	v3 =	vsub.s32 v3, v0;
	v2 =	vmin.u32 v2, $0x1388  }
0x4b: {  	v57 =	vld [tilespmem:$0x70];
	[tilespmem:$0x0] =	vst v2;
	v2 =	vmin.u32 v3, $0x1388;
	v3 =	vsub.s32 v4, v0  }
0x4c: {  	[tilespmem:$0x10] =	vst v2;
	v2 =	vmin.u32 v3, $0x1388;
	v3 =	vsub.s32 v5, v0  }
0x4d: {  	[tilespmem:$0x20] =	vst v2;
	v2 =	vmin.u32 v3, $0x1388;
	v3 =	vsub.s32 v6, v0  }
0x4e: {  	[tilespmem:$0x30] =	vst v2;
	v2 =	vmin.u32 v3, $0x1388;
	v3 =	vsub.s32 v7, v0  }
0x4f: {  	[tilespmem:$0x40] =	vst v2;
	v2 =	vmin.u32 v3, $0x1388;
	v3 =	vsub.s32 v8, v0  }
0x50: {  	[tilespmem:$0x50] =	vst v2;
	v2 =	vmin.u32 v3, $0x1388;
	v3 =	vsub.s32 v57, v0  }
0x51: {  	[tilespmem:$0x60] =	vst v2;
	v2 =	vmin.u32 v3, $0x1388  }
0x52: {  	[tilespmem:$0x70] =	vst v2  }
0x53: {  	[spmem:s1] =	stream.indirect.scatter.add.f32 [tilespmem:s14], [sflag:$0x2], $0x10, s2, s13, $0xb8;
	[tilespmem:$0xF090] =	vst v63  }
0x54: {  	_ =	swait.ge [sflag:s12], $0x800  }
0x55: {  	[sflag:s12] =	ssyncset.done $0x0  }
0x56: {  	[sflag:s12] =	ssyncadd.s32 $0xFFFFF800  }
0x57: {  	v2 =	vld [tilespmem:$0x80]  }
0x58: {  	v3 =	vld [tilespmem:$0x90]  }
0x59: {  	v58 =	vld [tilespmem:$0xA0]  }
0x5a: {  	v59 =	vld [tilespmem:$0xB0]  }
0x5b: {  	v60 =	vld [tilespmem:$0xC0]  }
0x5c: {  	v61 =	vld [tilespmem:$0xD0];
	v2 =	vsub.s32 v2, v0  }
0x5d: {  	v62 =	vld [tilespmem:$0xE0];
	v3 =	vsub.s32 v3, v0;
	v2 =	vmin.u32 v2, $0x1388  }
0x5e: {  	v63 =	vld [tilespmem:$0xF0];
	[tilespmem:$0x80] =	vst v2;
	v2 =	vmin.u32 v3, $0x1388;
	v3 =	vsub.s32 v58, v0  }
0x5f: {  	[tilespmem:$0x90] =	vst v2;
	v2 =	vmin.u32 v3, $0x1388;
	v3 =	vsub.s32 v59, v0  }
0x60: {  	[tilespmem:$0xA0] =	vst v2;
	v2 =	vmin.u32 v3, $0x1388;
	v3 =	vsub.s32 v60, v0  }
0x61: {  	[tilespmem:$0xB0] =	vst v2;
	v2 =	vmin.u32 v3, $0x1388;
	v3 =	vsub.s32 v61, v0  }
0x62: {  	[tilespmem:$0xC0] =	vst v2;
	v2 =	vmin.u32 v3, $0x1388;
	v3 =	vsub.s32 v62, v0  }
0x63: {  	[tilespmem:$0xD0] =	vst v2;
	v2 =	vmin.u32 v3, $0x1388;
	v3 =	vsub.s32 v63, v0  }
0x64: {  	[tilespmem:$0xE0] =	vst v2;
	v2 =	vmin.u32 v3, $0x1388  }
.Ltmp6:
0x65: {  	[tilespmem:$0xF0] =	vst v2;
	(pc) =	sbr.rel .LBB2_6-.Ltmp6, $4  }
0x66: {  	[spmem:s1] =	stream.indirect.scatter.add.f32 [tilespmem:s14], [sflag:$0x1], $0x10, s13, s13, $0xb8;
	[tilespmem:$0xF090] =	vst v63  }
0x67: {  	_ =	swait.ge [sflag:s11], $0x800  }
0x68: {  	[sflag:s11] =	ssyncset.done $0x0  }
0x69: {  	[sflag:s11] =	ssyncadd.s32 $0xFFFFF800  }
.LBB2_8:
0x6a: {  	_ =	sfence.sel $0x180000  }
0x6b: {  	[bflag:$0x0] =	sbarrier.arrive $0xFFFF  }
0x6c: {  	_ =	strace $0x90000047  }
0x6d: {  	s0 =	sadd.s32 @!p0 $0x100000, s0;
	[bflag:$0x2] =	sbarrier.arrive $0xFFFF  }
0x6e: {  	[sflag:s0] =	ssyncadd.tile.s32 @!p0 $0x1;
	_ =	shalt  }
.Lfunc_end2:
_tile_overlayer_lowered:
.L_overlay_start_2:
0x6f: {  	(tag) =	ssettag $0x2  }
0x70: {  	s0 =	rddreg [dreg:$0x0];
	s2 =	stileid.u32  }
0x71: {  	s1 =	rddreg [dreg:$0x1];
	p0 =	sne.s32 s2, $0x0  }
0x72: {  	s3 =	rddreg [dreg:$0x2];
	[bflag:$0x3] =	sbarrier.arrive $0xFFFF;
	s2 =	simm.s32 @!p0 $0x1C01  }
0x73: {  	[timem:s3], [sflag:s2] =	dma.local @!p0 [hbm:s0], s1  }
0x74: {  	s0 =	simm.s32 @!p0 $0x1  }
0x75: {  	_ =	swait.ge @!p0 [sflag:s0], s1  }
0x76: {  	s1 =	ssub.s32 @!p0 $0x0, s1;
	[sflag:s0] =	ssyncset.done @!p0 $0x0  }
0x77: {  	[sflag:s0] =	ssyncadd.s32 @!p0 s1  }
0x78: {  	[bflag:$0x3] =	sbarrier.arrive $0xFFFF  }
0x79: {  	_ =	shalt  }

</sc_bundles>
